<compile_context>
chip_gen: v7x
topology: tpu7x:2x2x1
jax: 0.10.2.dev20260603
libtpu: 0.0.44.dev20260713+nightly
codegen_flags: <defaults>
</compile_context>

<pallas_src>
import functools

import jax
import jax.numpy as jnp
from jax import lax
from jax.experimental import pallas as pl
from jax.experimental.pallas import tpu as pltpu, tpu_sc as plsc

NC = 2
NS = 16
CHUNK = 128


def _round_up(a, b):
    return (a + b - 1) // b * b



def _make_deg_kernel(n_pad, e_pad, d, interpret=False):
    edges_per_tile = e_pad // (NC * NS)
    n_chunks = edges_per_tile // CHUNK
    rows_per_tile = n_pad // NS
    mesh = plsc.VectorSubcoreMesh(core_axis_name="c", subcore_axis_name="s", num_cores=NC, num_subcores=NS)

    @functools.partial(
        pl.kernel,
        mesh=mesh,
        out_type=jax.ShapeDtypeStruct((NC, n_pad, d), jnp.float32),
        scratch_types=[
            pltpu.VMEM_SHARED((n_pad, d), jnp.float32),
            pltpu.VMEM((CHUNK,), jnp.int32),
            pltpu.VMEM((CHUNK, d), jnp.float32),
        ],
        interpret=interpret,
    )
    def deg_kernel(dst_hbm, ones_hbm, zeros_hbm, out_hbm, acc, dstv, ones_v):
        c = lax.axis_index("c")
        s = lax.axis_index("s")
        pltpu.sync_copy(zeros_hbm.at[pl.ds(s * rows_per_tile, rows_per_tile)],
                        acc.at[pl.ds(s * rows_per_tile, rows_per_tile)])
        pltpu.sync_copy(ones_hbm, ones_v)
        plsc.subcore_barrier()
        base = c * (e_pad // NC) + s * edges_per_tile

        def body(j, carry):
            pltpu.sync_copy(dst_hbm.at[pl.ds(base + j * CHUNK, CHUNK)], dstv)
            pltpu.sync_copy(ones_v, acc.at[dstv], add=True)
            return carry

        lax.fori_loop(0, n_chunks, body, 0)
        plsc.subcore_barrier()
        pltpu.sync_copy(acc.at[pl.ds(s * rows_per_tile, rows_per_tile)],
                        out_hbm.at[c, pl.ds(s * rows_per_tile, rows_per_tile)])

    return deg_kernel


def _make_prop_kernel(n, n_pad, e_pad, d, interpret=False):
    edges_per_tile = e_pad // (NC * NS)
    n_chunks = edges_per_tile // CHUNK
    rows_per_tile = n_pad // NS
    mesh = plsc.VectorSubcoreMesh(core_axis_name="c", subcore_axis_name="s", num_cores=NC, num_subcores=NS)

    @functools.partial(
        pl.kernel,
        mesh=mesh,
        out_type=jax.ShapeDtypeStruct((NC, n_pad, d), jnp.float32),
        scratch_types=[
            pltpu.VMEM_SHARED((n_pad, d), jnp.float32),
            pltpu.VMEM((CHUNK,), jnp.int32),
            pltpu.VMEM((CHUNK,), jnp.int32),
            pltpu.VMEM((CHUNK, d), jnp.float32),
            pltpu.SemaphoreType.DMA,
        ],
        interpret=interpret,
    )
    def prop_kernel(src_hbm, dst_hbm, tbl_hbm, zeros_hbm, out_hbm,
                    acc, srcv, dstv, rows, sem):
        c = lax.axis_index("c")
        s = lax.axis_index("s")
        pltpu.sync_copy(zeros_hbm.at[pl.ds(s * rows_per_tile, rows_per_tile)],
                        acc.at[pl.ds(s * rows_per_tile, rows_per_tile)])
        plsc.subcore_barrier()
        base = c * (e_pad // NC) + s * edges_per_tile

        def body(j, carry):
            off = base + j * CHUNK
            pltpu.sync_copy(src_hbm.at[pl.ds(off, CHUNK)], srcv)
            pltpu.sync_copy(dst_hbm.at[pl.ds(off, CHUNK)], dstv)
            pltpu.async_copy(tbl_hbm.at[srcv], rows, sem).wait()
            pltpu.sync_copy(rows, acc.at[dstv], add=True)
            return carry

        lax.fori_loop(0, n_chunks, body, 0)
        plsc.subcore_barrier()
        pltpu.sync_copy(acc.at[pl.ds(s * rows_per_tile, rows_per_tile)],
                        out_hbm.at[c, pl.ds(s * rows_per_tile, rows_per_tile)])

    return prop_kernel



def _layer_norm(z, g, b):
    mu = jnp.mean(z, axis=-1, keepdims=True)
    var = jnp.var(z, axis=-1, keepdims=True)
    return (z - mu) / jnp.sqrt(var + 1e-5) * g + b


def _prep_body(deg_ref, x_ref, g0_ref, d2_ref, sdeg_ref):
    deg = 1.0 + deg_ref[0, :, 0:1] + deg_ref[1, :, 0:1]
    dinv = lax.rsqrt(deg)
    g0_ref[...] = x_ref[...] * dinv
    d2_ref[...] = 1.0 / deg
    sdeg_ref[...] = jnp.sqrt(deg)


def _combine_body(sp_ref, g_ref, d2_ref, out_ref):
    s = sp_ref[0] + sp_ref[1] + g_ref[...]
    out_ref[...] = s * d2_ref[...]


def _mlp_body(x_ref, g1_ref, g2_ref, g3_ref, sdeg_ref,
              wh_ref, bh_ref, lng_ref, lnb_ref,
              wo_ref, bo_ref, lngo_ref, lnbo_ref, out_ref):
    sdeg = sdeg_ref[...]
    hs = (x_ref[...], g1_ref[...] * sdeg, g2_ref[...] * sdeg,
          g3_ref[...] * sdeg)
    acc = None
    for i in range(4):
        z = jnp.dot(hs[i], wh_ref[i], preferred_element_type=jnp.float32)
        z = z + bh_ref[i:i + 1, :]
        z = _layer_norm(z, lng_ref[i:i + 1, :], lnb_ref[i:i + 1, :])
        z = jnp.maximum(z, 0.0)
        part = jnp.dot(z, wo_ref[i * 128:(i + 1) * 128, :],
                       preferred_element_type=jnp.float32)
        acc = part if acc is None else acc + part
    z = acc + bo_ref[...]
    z = _layer_norm(z, lngo_ref[...], lnbo_ref[...])
    out_ref[...] = jnp.maximum(z, 0.0)



def kernel(x, edge_index, W_hops, b_hops, ln_g_hops, ln_b_hops,
           W_out, b_out, ln_g_out, ln_b_out):
    n, d = x.shape
    e = edge_index.shape[1]
    n_pad = _round_up(n, NS * 8)
    e_pad = _round_up(e, NC * NS * CHUNK)

    src = jnp.concatenate([edge_index[0],
                           jnp.zeros((e_pad - e,), jnp.int32)])
    dst = jnp.concatenate([edge_index[1],
                           jnp.full((e_pad - e,), n, jnp.int32)])

    ones_d = jnp.ones((CHUNK, d), jnp.float32)
    zeros_d = jnp.zeros((n_pad, d), jnp.float32)

    deg_parts = _make_deg_kernel(n_pad, e_pad, d)(dst, ones_d, zeros_d)
    prop = _make_prop_kernel(n, n_pad, e_pad, d)

    grid_r = 400
    grid = (n // grid_r,)
    row_spec = pl.BlockSpec((grid_r, d), lambda i: (i, 0))
    col_spec = pl.BlockSpec((grid_r, 1), lambda i: (i, 0))

    g0, d2, sdeg = pl.pallas_call(
        _prep_body,
        grid=grid,
        in_specs=[pl.BlockSpec((2, grid_r, d), lambda i: (0, i, 0)), row_spec],
        out_specs=[row_spec, col_spec, col_spec],
        out_shape=[jax.ShapeDtypeStruct((n, d), jnp.float32),
                   jax.ShapeDtypeStruct((n, 1), jnp.float32),
                   jax.ShapeDtypeStruct((n, 1), jnp.float32)],
    )(deg_parts[:, :n, :], x)

    combine = pl.pallas_call(
        _combine_body,
        grid=grid,
        in_specs=[pl.BlockSpec((2, grid_r, d), lambda i: (0, i, 0)),
                  row_spec, col_spec],
        out_specs=row_spec,
        out_shape=jax.ShapeDtypeStruct((n, d), jnp.float32),
    )

    gs = [g0]
    for _ in range(3):
        s_parts = prop(src, dst, gs[-1], zeros_d)
        gs.append(combine(s_parts[:, :n, :], gs[-1], d2))

    full = lambda *shape: pl.BlockSpec(shape, lambda i: (0,) * len(shape))
    out = pl.pallas_call(
        _mlp_body,
        grid=grid,
        in_specs=[row_spec, row_spec, row_spec, row_spec, col_spec,
                  full(4, 128, 128), full(4, 128), full(4, 128), full(4, 128),
                  full(512, 128), full(1, 128), full(1, 128), full(1, 128)],
        out_specs=row_spec,
        out_shape=jax.ShapeDtypeStruct((n, d), jnp.float32),
    )(x, gs[1], gs[2], gs[3], sdeg,
      W_hops, b_hops, ln_g_hops, ln_b_hops,
      W_out, b_out.reshape(1, -1), ln_g_out.reshape(1, -1),
      ln_b_out.reshape(1, -1))
    return out

# --- scband reference (transcript-rebuilt; emitter-appended) ---
"""Pipeline reference for scband-flat-gnn-78228534329682 (READ-ONLY COPY).

The authoritative reference and input builder live on the scoring server;
editing this copy changes nothing except your own understanding.
"""

import jax, jax.numpy as jnp
import numpy as np

N = 10000
E = 320000
D = 128
H = 128
N_HOPS = 3
N_NIE = N_HOPS + 1


def layer_norm(h, g, b):
    mu = jnp.mean(h, axis=-1, keepdims=True)
    var = jnp.var(h, axis=-1, keepdims=True)
    return (h - mu) / jnp.sqrt(var + 1e-5) * g + b


def setup_inputs(seed: int = 0) -> dict:
    key = jax.random.key(seed)
    ks = jax.random.split(key, 12)
    x = jax.random.normal(ks[0], (N, D), dtype=jnp.float32)
    edge_index = jax.random.randint(ks[1], (2, E), 0, N, dtype=jnp.int32)
    W_hops = jax.random.normal(ks[2], (N_NIE, D, H), dtype=jnp.float32) * (1.0 / np.sqrt(D))
    b_hops = jnp.zeros((N_NIE, H), dtype=jnp.float32)
    ln_g_hops = jnp.ones((N_NIE, H), dtype=jnp.float32)
    ln_b_hops = jnp.zeros((N_NIE, H), dtype=jnp.float32)
    W_out = jax.random.normal(ks[3], (H * N_NIE, H), dtype=jnp.float32) * (1.0 / np.sqrt(H * N_NIE))
    b_out = jnp.zeros((H,), dtype=jnp.float32)
    ln_g_out = jnp.ones((H,), dtype=jnp.float32)
    ln_b_out = jnp.zeros((H,), dtype=jnp.float32)
    return {
        'x': x, 'edge_index': edge_index,
        'W_hops': W_hops, 'b_hops': b_hops,
        'ln_g_hops': ln_g_hops, 'ln_b_hops': ln_b_hops,
        'W_out': W_out, 'b_out': b_out,
        'ln_g_out': ln_g_out, 'ln_b_out': ln_b_out,
    }


def reference(x, edge_index, W_hops, b_hops, ln_g_hops, ln_b_hops, W_out, b_out, ln_g_out, ln_b_out):
    # preprocess_neighborhoods: symmetric-normalized adjacency with self-loops (set_diag=True),
    # producing nei_feats[i] = A_hat^i X for i in 0..n_hops
    src = edge_index[0]
    dst = edge_index[1]
    loops = jnp.arange(N, dtype=src.dtype)
    src_a = jnp.concatenate([src, loops])
    dst_a = jnp.concatenate([dst, loops])
    deg = jax.ops.segment_sum(jnp.ones(src_a.shape[0], dtype=jnp.float32), dst_a, num_segments=N)
    dinv = 1.0 / jnp.sqrt(jnp.clip(deg, 1.0))
    coef = dinv[src_a] * dinv[dst_a]

    def prop(h):
        msg = h[src_a] * coef[:, None]
        return jax.ops.segment_sum(msg, dst_a, num_segments=N)

    nei_feats = [x]
    h = x
    for _ in range(N_HOPS):
        h = prop(h)
        nei_feats.append(h)

    # nie == 'gcn-nie-nst': per-hop MLP (Linear -> LayerNorm -> ReLU); dropout is identity in eval
    ns = []
    for i in range(N_NIE):
        z = nei_feats[i] @ W_hops[i] + b_hops[i]
        z = layer_norm(z, ln_g_hops[i], ln_b_hops[i])
        ns.append(jax.nn.relu(z))

    hops_feats = jnp.concatenate(ns, axis=1)

    # nrl == 'concat': single MLP over the concatenated hop features
    z = hops_feats @ W_out + b_out
    z = layer_norm(z, ln_g_out, ln_b_out)
    return jax.nn.relu(z)

if __name__ == "__main__":
    import jax
    _d = setup_inputs()
    print(jax.jit(kernel)(*tuple(_d.values())))

</pallas_src>

<mosaic_0001>
#map = affine_map<(d0, d1) -> (0)>
#map1 = affine_map<(d0, d1) -> (0, 0)>
#map2 = affine_map<(d0, d1) -> (0, 0, 0)>
module attributes {stable_mosaic.version = 14 : i64} {
  func.func @deg_kernel(%arg0: i32, %arg1: i32, %arg2: memref<323584xi32, #tpu.memory_space<hbm>>, %arg3: memref<128x128xf32, #tpu.memory_space<hbm>>, %arg4: memref<10112x128xf32, #tpu.memory_space<hbm>>, %arg5: memref<2x10112x128xf32, #tpu.memory_space<hbm>>, %arg6: memref<10112x128xf32, #tpu.memory_space<vmem_shared>>, %arg7: memref<128xi32, #tpu.memory_space<vmem>>, %arg8: memref<128x128xf32, #tpu.memory_space<vmem>>) attributes {dimension_semantics = [#tpu.dimension_semantics<core_parallel>, #tpu.dimension_semantics<subcore_parallel>], iteration_bounds = array<i64: 2, 16>, scalar_prefetch = 0 : i64, scratch_operands = 3 : i64, tpu.core_type = #tpu.core_type<sc_vector_subcore>, window_params = [{transform_indices = #map}, {transform_indices = #map1}, {transform_indices = #map1}, {transform_indices = #map2}]} {
    %mul3A = arith.constant 632 : i32
    %mul3A_0 = arith.muli %arg1, %mul3A : i32
    %mul3A_1 = arith.constant 632 : i32
    %mul3A_2 = arith.muli %arg1, %mul3A_1 : i32
    "tpu.region"() ({
      %run_scoped3A = tpu.sem_alloc : memref<!tpu.dma_semaphore, #tpu.memory_space<semaphore_mem>>
      %dma_start3A = arith.constant 0 : i32
      %dma_start3A_17 = tpu.memref_slice %arg6[%mul3A_2, %dma_start3A] : memref<10112x128xf32, #tpu.memory_space<vmem_shared>> -> memref<632x128xf32, #tpu.memory_space<vmem_shared>>
      %dma_start3A_18 = arith.constant 0 : i32
      %dma_start3A_19 = tpu.memref_slice %arg4[%mul3A_0, %dma_start3A_18] : memref<10112x128xf32, #tpu.memory_space<hbm>> -> memref<632x128xf32, #tpu.memory_space<hbm>>
      tpu.enqueue_dma source(%dma_start3A_19 : memref<632x128xf32, #tpu.memory_space<hbm>>) target(%dma_start3A_17 : memref<632x128xf32, #tpu.memory_space<vmem_shared>>) target_semaphore(%run_scoped3A : memref<!tpu.dma_semaphore, #tpu.memory_space<semaphore_mem>>)
      %dma_wait3A = arith.constant 0 : i32
      %dma_wait3A_20 = tpu.memref_slice %arg6[%mul3A_2, %dma_wait3A] : memref<10112x128xf32, #tpu.memory_space<vmem_shared>> -> memref<632x128xf32, #tpu.memory_space<vmem_shared>>
      %dma_wait3A_21 = arith.constant 0 : i32
      %dma_wait3A_22 = tpu.memref_slice %arg4[%mul3A_0, %dma_wait3A_21] : memref<10112x128xf32, #tpu.memory_space<hbm>> -> memref<632x128xf32, #tpu.memory_space<hbm>>
      tpu.wait_dma2 semaphore(%run_scoped3A : memref<!tpu.dma_semaphore, #tpu.memory_space<semaphore_mem>>) src(%dma_wait3A_22 : memref<632x128xf32, #tpu.memory_space<hbm>>) dst(%dma_wait3A_20 : memref<632x128xf32, #tpu.memory_space<vmem_shared>>)
      tpu.yield
    }) : () -> ()
    "tpu.region"() ({
      %run_scoped3A = tpu.sem_alloc : memref<!tpu.dma_semaphore, #tpu.memory_space<semaphore_mem>>
      tpu.enqueue_dma source(%arg3 : memref<128x128xf32, #tpu.memory_space<hbm>>) target(%arg8 : memref<128x128xf32, #tpu.memory_space<vmem>>) target_semaphore(%run_scoped3A : memref<!tpu.dma_semaphore, #tpu.memory_space<semaphore_mem>>)
      tpu.wait_dma2 semaphore(%run_scoped3A : memref<!tpu.dma_semaphore, #tpu.memory_space<semaphore_mem>>) src(%arg3 : memref<128x128xf32, #tpu.memory_space<hbm>>) dst(%arg8 : memref<128x128xf32, #tpu.memory_space<vmem>>)
      tpu.yield
    }) : () -> ()
    %barrier3A = arith.constant 0 : index
    tpu.barrier barrier_id(%barrier3A)
    %mul3A_3 = arith.constant 161792 : i32
    %mul3A_4 = arith.muli %arg0, %mul3A_3 : i32
    %mul3A_5 = arith.constant 10112 : i32
    %mul3A_6 = arith.muli %arg1, %mul3A_5 : i32
    %add3A = arith.addi %mul3A_4, %mul3A_6 : i32
    %scan3A = arith.constant 0 : i32
    %scan3A_7 = arith.constant 0 : i32
    %scan3A_8 = arith.constant 79 : i32
    %scan3A_9 = arith.addi %scan3A_7, %scan3A_8 : i32
    %scan3A_10 = arith.constant 1 : i32
    scf.for %scan3A_17 = %scan3A_7 to %scan3A_9 step %scan3A_10  : i32 {
      %mul3A_18 = arith.constant 128 : i32
      %mul3A_19 = arith.muli %scan3A_17, %mul3A_18 : i32
      %add3A_20 = arith.addi %add3A, %mul3A_19 : i32
      "tpu.region"() ({
        %run_scoped3A = tpu.sem_alloc : memref<!tpu.dma_semaphore, #tpu.memory_space<semaphore_mem>>
        %dma_start3A = tpu.memref_slice %arg2[%add3A_20] : memref<323584xi32, #tpu.memory_space<hbm>> -> memref<128xi32, #tpu.memory_space<hbm>>
        %dma_start3A_21 = tpu.memref_slice %arg2[%add3A_20] : memref<323584xi32, #tpu.memory_space<hbm>> -> memref<128xi32, #tpu.memory_space<hbm>>
        tpu.enqueue_dma source(%dma_start3A_21 : memref<128xi32, #tpu.memory_space<hbm>>) target(%arg7 : memref<128xi32, #tpu.memory_space<vmem>>) target_semaphore(%run_scoped3A : memref<!tpu.dma_semaphore, #tpu.memory_space<semaphore_mem>>)
        %dma_wait3A = tpu.memref_slice %arg2[%add3A_20] : memref<323584xi32, #tpu.memory_space<hbm>> -> memref<128xi32, #tpu.memory_space<hbm>>
        %dma_wait3A_22 = tpu.memref_slice %arg2[%add3A_20] : memref<323584xi32, #tpu.memory_space<hbm>> -> memref<128xi32, #tpu.memory_space<hbm>>
        tpu.wait_dma2 semaphore(%run_scoped3A : memref<!tpu.dma_semaphore, #tpu.memory_space<semaphore_mem>>) src(%dma_wait3A_22 : memref<128xi32, #tpu.memory_space<hbm>>) dst(%arg7 : memref<128xi32, #tpu.memory_space<vmem>>)
        tpu.yield
      }) : () -> ()
      "tpu.region"() ({
        %run_scoped3A = tpu.sem_alloc : memref<!tpu.dma_semaphore, #tpu.memory_space<semaphore_mem>>
        %dma_start3A = arith.constant 0 : i32
        %dma_start3A_21 = arith.constant 0 : i32
        %dma_start3A_22 = tpu.memref_slice %arg6[%dma_start3A, %dma_start3A_21] : memref<10112x128xf32, #tpu.memory_space<vmem_shared>> -> memref<10112x128xf32, #tpu.memory_space<vmem_shared>>
        tpu.enqueue_indirect_dma source(%arg8 : memref<128x128xf32, #tpu.memory_space<vmem>>) target(%dma_start3A_22 : memref<10112x128xf32, #tpu.memory_space<vmem_shared>>) offsets(%arg7 : memref<128xi32, #tpu.memory_space<vmem>>) semaphore(%run_scoped3A : memref<!tpu.dma_semaphore, #tpu.memory_space<semaphore_mem>>) {add = true}
        %dma_wait3A = arith.constant 0 : i32
        %dma_wait3A_23 = arith.constant 0 : i32
        %dma_wait3A_24 = tpu.memref_slice %arg6[%dma_wait3A, %dma_wait3A_23] : memref<10112x128xf32, #tpu.memory_space<vmem_shared>> -> memref<10112x128xf32, #tpu.memory_space<vmem_shared>>
        tpu.wait_indirect_dma semaphore(%run_scoped3A : memref<!tpu.dma_semaphore, #tpu.memory_space<semaphore_mem>>) src(%arg8 : memref<128x128xf32, #tpu.memory_space<vmem>>) dst(%dma_wait3A_24 : memref<10112x128xf32, #tpu.memory_space<vmem_shared>>)
        tpu.yield
      }) : () -> ()
    }
    %scan3A_11 = arith.constant 79 : i32
    %barrier3A_12 = arith.constant 0 : index
    tpu.barrier barrier_id(%barrier3A_12)
    %mul3A_13 = arith.constant 632 : i32
    %mul3A_14 = arith.muli %arg1, %mul3A_13 : i32
    %mul3A_15 = arith.constant 632 : i32
    %mul3A_16 = arith.muli %arg1, %mul3A_15 : i32
    "tpu.region"() ({
      %run_scoped3A = tpu.sem_alloc : memref<!tpu.dma_semaphore, #tpu.memory_space<semaphore_mem>>
      %dma_start3A = arith.constant 0 : i32
      %dma_start3A_17 = tpu.memref_slice %arg5[%arg0, %mul3A_16, %dma_start3A] : memref<2x10112x128xf32, #tpu.memory_space<hbm>> -> memref<1x632x128xf32, #tpu.memory_space<hbm>>
      %dma_start3A_18 = tpu.memref_squeeze %dma_start3A_17 : memref<1x632x128xf32, #tpu.memory_space<hbm>> -> memref<632x128xf32, #tpu.memory_space<hbm>>
      %dma_start3A_19 = arith.constant 0 : i32
      %dma_start3A_20 = tpu.memref_slice %arg6[%mul3A_14, %dma_start3A_19] : memref<10112x128xf32, #tpu.memory_space<vmem_shared>> -> memref<632x128xf32, #tpu.memory_space<vmem_shared>>
      tpu.enqueue_dma source(%dma_start3A_20 : memref<632x128xf32, #tpu.memory_space<vmem_shared>>) target(%dma_start3A_18 : memref<632x128xf32, #tpu.memory_space<hbm>>) target_semaphore(%run_scoped3A : memref<!tpu.dma_semaphore, #tpu.memory_space<semaphore_mem>>)
      %dma_wait3A = arith.constant 0 : i32
      %dma_wait3A_21 = tpu.memref_slice %arg5[%arg0, %mul3A_16, %dma_wait3A] : memref<2x10112x128xf32, #tpu.memory_space<hbm>> -> memref<1x632x128xf32, #tpu.memory_space<hbm>>
      %dma_wait3A_22 = tpu.memref_squeeze %dma_wait3A_21 : memref<1x632x128xf32, #tpu.memory_space<hbm>> -> memref<632x128xf32, #tpu.memory_space<hbm>>
      %dma_wait3A_23 = arith.constant 0 : i32
      %dma_wait3A_24 = tpu.memref_slice %arg6[%mul3A_14, %dma_wait3A_23] : memref<10112x128xf32, #tpu.memory_space<vmem_shared>> -> memref<632x128xf32, #tpu.memory_space<vmem_shared>>
      tpu.wait_dma2 semaphore(%run_scoped3A : memref<!tpu.dma_semaphore, #tpu.memory_space<semaphore_mem>>) src(%dma_wait3A_24 : memref<632x128xf32, #tpu.memory_space<vmem_shared>>) dst(%dma_wait3A_22 : memref<632x128xf32, #tpu.memory_space<hbm>>)
      tpu.yield
    }) : () -> ()
    return
  }
}

#map = affine_map<(d0, d1) -> (0)>
#map1 = affine_map<(d0, d1) -> (0, 0)>
#map2 = affine_map<(d0, d1) -> (0, 0, 0)>
module attributes {stable_mosaic.version = 14 : i64} {
  func.func @prop_kernel(%arg0: i32, %arg1: i32, %arg2: memref<323584xi32, #tpu.memory_space<hbm>>, %arg3: memref<323584xi32, #tpu.memory_space<hbm>>, %arg4: memref<10000x128xf32, #tpu.memory_space<hbm>>, %arg5: memref<10112x128xf32, #tpu.memory_space<hbm>>, %arg6: memref<2x10112x128xf32, #tpu.memory_space<hbm>>, %arg7: memref<10112x128xf32, #tpu.memory_space<vmem_shared>>, %arg8: memref<128xi32, #tpu.memory_space<vmem>>, %arg9: memref<128xi32, #tpu.memory_space<vmem>>, %arg10: memref<128x128xf32, #tpu.memory_space<vmem>>, %arg11: memref<!tpu.dma_semaphore, #tpu.memory_space<semaphore_mem>>) attributes {dimension_semantics = [#tpu.dimension_semantics<core_parallel>, #tpu.dimension_semantics<subcore_parallel>], iteration_bounds = array<i64: 2, 16>, scalar_prefetch = 0 : i64, scratch_operands = 5 : i64, tpu.core_type = #tpu.core_type<sc_vector_subcore>, window_params = [{transform_indices = #map}, {transform_indices = #map}, {transform_indices = #map1}, {transform_indices = #map1}, {transform_indices = #map2}]} {
    %mul3A = arith.constant 632 : i32
    %mul3A_0 = arith.muli %arg1, %mul3A : i32
    %mul3A_1 = arith.constant 632 : i32
    %mul3A_2 = arith.muli %arg1, %mul3A_1 : i32
    "tpu.region"() ({
      %run_scoped3A = tpu.sem_alloc : memref<!tpu.dma_semaphore, #tpu.memory_space<semaphore_mem>>
      %dma_start3A = arith.constant 0 : i32
      %dma_start3A_17 = tpu.memref_slice %arg7[%mul3A_2, %dma_start3A] : memref<10112x128xf32, #tpu.memory_space<vmem_shared>> -> memref<632x128xf32, #tpu.memory_space<vmem_shared>>
      %dma_start3A_18 = arith.constant 0 : i32
      %dma_start3A_19 = tpu.memref_slice %arg5[%mul3A_0, %dma_start3A_18] : memref<10112x128xf32, #tpu.memory_space<hbm>> -> memref<632x128xf32, #tpu.memory_space<hbm>>
      tpu.enqueue_dma source(%dma_start3A_19 : memref<632x128xf32, #tpu.memory_space<hbm>>) target(%dma_start3A_17 : memref<632x128xf32, #tpu.memory_space<vmem_shared>>) target_semaphore(%run_scoped3A : memref<!tpu.dma_semaphore, #tpu.memory_space<semaphore_mem>>)
      %dma_wait3A = arith.constant 0 : i32
      %dma_wait3A_20 = tpu.memref_slice %arg7[%mul3A_2, %dma_wait3A] : memref<10112x128xf32, #tpu.memory_space<vmem_shared>> -> memref<632x128xf32, #tpu.memory_space<vmem_shared>>
      %dma_wait3A_21 = arith.constant 0 : i32
      %dma_wait3A_22 = tpu.memref_slice %arg5[%mul3A_0, %dma_wait3A_21] : memref<10112x128xf32, #tpu.memory_space<hbm>> -> memref<632x128xf32, #tpu.memory_space<hbm>>
      tpu.wait_dma2 semaphore(%run_scoped3A : memref<!tpu.dma_semaphore, #tpu.memory_space<semaphore_mem>>) src(%dma_wait3A_22 : memref<632x128xf32, #tpu.memory_space<hbm>>) dst(%dma_wait3A_20 : memref<632x128xf32, #tpu.memory_space<vmem_shared>>)
      tpu.yield
    }) : () -> ()
    %barrier3A = arith.constant 0 : index
    tpu.barrier barrier_id(%barrier3A)
    %mul3A_3 = arith.constant 161792 : i32
    %mul3A_4 = arith.muli %arg0, %mul3A_3 : i32
    %mul3A_5 = arith.constant 10112 : i32
    %mul3A_6 = arith.muli %arg1, %mul3A_5 : i32
    %add3A = arith.addi %mul3A_4, %mul3A_6 : i32
    %scan3A = arith.constant 0 : i32
    %scan3A_7 = arith.constant 0 : i32
    %scan3A_8 = arith.constant 79 : i32
    %scan3A_9 = arith.addi %scan3A_7, %scan3A_8 : i32
    %scan3A_10 = arith.constant 1 : i32
    scf.for %scan3A_17 = %scan3A_7 to %scan3A_9 step %scan3A_10  : i32 {
      %mul3A_18 = arith.constant 128 : i32
      %mul3A_19 = arith.muli %scan3A_17, %mul3A_18 : i32
      %add3A_20 = arith.addi %add3A, %mul3A_19 : i32
      "tpu.region"() ({
        %run_scoped3A = tpu.sem_alloc : memref<!tpu.dma_semaphore, #tpu.memory_space<semaphore_mem>>
        %dma_start3A_25 = tpu.memref_slice %arg2[%add3A_20] : memref<323584xi32, #tpu.memory_space<hbm>> -> memref<128xi32, #tpu.memory_space<hbm>>
        %dma_start3A_26 = tpu.memref_slice %arg2[%add3A_20] : memref<323584xi32, #tpu.memory_space<hbm>> -> memref<128xi32, #tpu.memory_space<hbm>>
        tpu.enqueue_dma source(%dma_start3A_26 : memref<128xi32, #tpu.memory_space<hbm>>) target(%arg8 : memref<128xi32, #tpu.memory_space<vmem>>) target_semaphore(%run_scoped3A : memref<!tpu.dma_semaphore, #tpu.memory_space<semaphore_mem>>)
        %dma_wait3A_27 = tpu.memref_slice %arg2[%add3A_20] : memref<323584xi32, #tpu.memory_space<hbm>> -> memref<128xi32, #tpu.memory_space<hbm>>
        %dma_wait3A_28 = tpu.memref_slice %arg2[%add3A_20] : memref<323584xi32, #tpu.memory_space<hbm>> -> memref<128xi32, #tpu.memory_space<hbm>>
        tpu.wait_dma2 semaphore(%run_scoped3A : memref<!tpu.dma_semaphore, #tpu.memory_space<semaphore_mem>>) src(%dma_wait3A_28 : memref<128xi32, #tpu.memory_space<hbm>>) dst(%arg8 : memref<128xi32, #tpu.memory_space<vmem>>)
        tpu.yield
      }) : () -> ()
      "tpu.region"() ({
        %run_scoped3A = tpu.sem_alloc : memref<!tpu.dma_semaphore, #tpu.memory_space<semaphore_mem>>
        %dma_start3A_25 = tpu.memref_slice %arg3[%add3A_20] : memref<323584xi32, #tpu.memory_space<hbm>> -> memref<128xi32, #tpu.memory_space<hbm>>
        %dma_start3A_26 = tpu.memref_slice %arg3[%add3A_20] : memref<323584xi32, #tpu.memory_space<hbm>> -> memref<128xi32, #tpu.memory_space<hbm>>
        tpu.enqueue_dma source(%dma_start3A_26 : memref<128xi32, #tpu.memory_space<hbm>>) target(%arg9 : memref<128xi32, #tpu.memory_space<vmem>>) target_semaphore(%run_scoped3A : memref<!tpu.dma_semaphore, #tpu.memory_space<semaphore_mem>>)
        %dma_wait3A_27 = tpu.memref_slice %arg3[%add3A_20] : memref<323584xi32, #tpu.memory_space<hbm>> -> memref<128xi32, #tpu.memory_space<hbm>>
        %dma_wait3A_28 = tpu.memref_slice %arg3[%add3A_20] : memref<323584xi32, #tpu.memory_space<hbm>> -> memref<128xi32, #tpu.memory_space<hbm>>
        tpu.wait_dma2 semaphore(%run_scoped3A : memref<!tpu.dma_semaphore, #tpu.memory_space<semaphore_mem>>) src(%dma_wait3A_28 : memref<128xi32, #tpu.memory_space<hbm>>) dst(%arg9 : memref<128xi32, #tpu.memory_space<vmem>>)
        tpu.yield
      }) : () -> ()
      %dma_start3A = arith.constant 0 : i32
      %dma_start3A_21 = arith.constant 0 : i32
      %dma_start3A_22 = tpu.memref_slice %arg4[%dma_start3A, %dma_start3A_21] : memref<10000x128xf32, #tpu.memory_space<hbm>> -> memref<10000x128xf32, #tpu.memory_space<hbm>>
      tpu.enqueue_indirect_dma source(%dma_start3A_22 : memref<10000x128xf32, #tpu.memory_space<hbm>>) target(%arg10 : memref<128x128xf32, #tpu.memory_space<vmem>>) offsets(%arg8 : memref<128xi32, #tpu.memory_space<vmem>>) semaphore(%arg11 : memref<!tpu.dma_semaphore, #tpu.memory_space<semaphore_mem>>)
      %dma_wait3A = arith.constant 0 : i32
      %dma_wait3A_23 = arith.constant 0 : i32
      %dma_wait3A_24 = tpu.memref_slice %arg4[%dma_wait3A, %dma_wait3A_23] : memref<10000x128xf32, #tpu.memory_space<hbm>> -> memref<10000x128xf32, #tpu.memory_space<hbm>>
      tpu.wait_indirect_dma semaphore(%arg11 : memref<!tpu.dma_semaphore, #tpu.memory_space<semaphore_mem>>) src(%dma_wait3A_24 : memref<10000x128xf32, #tpu.memory_space<hbm>>) dst(%arg10 : memref<128x128xf32, #tpu.memory_space<vmem>>)
      "tpu.region"() ({
        %run_scoped3A = tpu.sem_alloc : memref<!tpu.dma_semaphore, #tpu.memory_space<semaphore_mem>>
        %dma_start3A_25 = arith.constant 0 : i32
        %dma_start3A_26 = arith.constant 0 : i32
        %dma_start3A_27 = tpu.memref_slice %arg7[%dma_start3A_25, %dma_start3A_26] : memref<10112x128xf32, #tpu.memory_space<vmem_shared>> -> memref<10112x128xf32, #tpu.memory_space<vmem_shared>>
        tpu.enqueue_indirect_dma source(%arg10 : memref<128x128xf32, #tpu.memory_space<vmem>>) target(%dma_start3A_27 : memref<10112x128xf32, #tpu.memory_space<vmem_shared>>) offsets(%arg9 : memref<128xi32, #tpu.memory_space<vmem>>) semaphore(%run_scoped3A : memref<!tpu.dma_semaphore, #tpu.memory_space<semaphore_mem>>) {add = true}
        %dma_wait3A_28 = arith.constant 0 : i32
        %dma_wait3A_29 = arith.constant 0 : i32
        %dma_wait3A_30 = tpu.memref_slice %arg7[%dma_wait3A_28, %dma_wait3A_29] : memref<10112x128xf32, #tpu.memory_space<vmem_shared>> -> memref<10112x128xf32, #tpu.memory_space<vmem_shared>>
        tpu.wait_indirect_dma semaphore(%run_scoped3A : memref<!tpu.dma_semaphore, #tpu.memory_space<semaphore_mem>>) src(%arg10 : memref<128x128xf32, #tpu.memory_space<vmem>>) dst(%dma_wait3A_30 : memref<10112x128xf32, #tpu.memory_space<vmem_shared>>)
        tpu.yield
      }) : () -> ()
    }
    %scan3A_11 = arith.constant 79 : i32
    %barrier3A_12 = arith.constant 0 : index
    tpu.barrier barrier_id(%barrier3A_12)
    %mul3A_13 = arith.constant 632 : i32
    %mul3A_14 = arith.muli %arg1, %mul3A_13 : i32
    %mul3A_15 = arith.constant 632 : i32
    %mul3A_16 = arith.muli %arg1, %mul3A_15 : i32
    "tpu.region"() ({
      %run_scoped3A = tpu.sem_alloc : memref<!tpu.dma_semaphore, #tpu.memory_space<semaphore_mem>>
      %dma_start3A = arith.constant 0 : i32
      %dma_start3A_17 = tpu.memref_slice %arg6[%arg0, %mul3A_16, %dma_start3A] : memref<2x10112x128xf32, #tpu.memory_space<hbm>> -> memref<1x632x128xf32, #tpu.memory_space<hbm>>
      %dma_start3A_18 = tpu.memref_squeeze %dma_start3A_17 : memref<1x632x128xf32, #tpu.memory_space<hbm>> -> memref<632x128xf32, #tpu.memory_space<hbm>>
      %dma_start3A_19 = arith.constant 0 : i32
      %dma_start3A_20 = tpu.memref_slice %arg7[%mul3A_14, %dma_start3A_19] : memref<10112x128xf32, #tpu.memory_space<vmem_shared>> -> memref<632x128xf32, #tpu.memory_space<vmem_shared>>
      tpu.enqueue_dma source(%dma_start3A_20 : memref<632x128xf32, #tpu.memory_space<vmem_shared>>) target(%dma_start3A_18 : memref<632x128xf32, #tpu.memory_space<hbm>>) target_semaphore(%run_scoped3A : memref<!tpu.dma_semaphore, #tpu.memory_space<semaphore_mem>>)
      %dma_wait3A = arith.constant 0 : i32
      %dma_wait3A_21 = tpu.memref_slice %arg6[%arg0, %mul3A_16, %dma_wait3A] : memref<2x10112x128xf32, #tpu.memory_space<hbm>> -> memref<1x632x128xf32, #tpu.memory_space<hbm>>
      %dma_wait3A_22 = tpu.memref_squeeze %dma_wait3A_21 : memref<1x632x128xf32, #tpu.memory_space<hbm>> -> memref<632x128xf32, #tpu.memory_space<hbm>>
      %dma_wait3A_23 = arith.constant 0 : i32
      %dma_wait3A_24 = tpu.memref_slice %arg7[%mul3A_14, %dma_wait3A_23] : memref<10112x128xf32, #tpu.memory_space<vmem_shared>> -> memref<632x128xf32, #tpu.memory_space<vmem_shared>>
      tpu.wait_dma2 semaphore(%run_scoped3A : memref<!tpu.dma_semaphore, #tpu.memory_space<semaphore_mem>>) src(%dma_wait3A_24 : memref<632x128xf32, #tpu.memory_space<vmem_shared>>) dst(%dma_wait3A_22 : memref<632x128xf32, #tpu.memory_space<hbm>>)
      tpu.yield
    }) : () -> ()
    return
  }
}

#map = affine_map<(d0, d1) -> (0)>
#map1 = affine_map<(d0, d1) -> (0, 0)>
#map2 = affine_map<(d0, d1) -> (0, 0, 0)>
module attributes {stable_mosaic.version = 14 : i64} {
  func.func @prop_kernel(%arg0: i32, %arg1: i32, %arg2: memref<323584xi32, #tpu.memory_space<hbm>>, %arg3: memref<323584xi32, #tpu.memory_space<hbm>>, %arg4: memref<10000x128xf32, #tpu.memory_space<hbm>>, %arg5: memref<10112x128xf32, #tpu.memory_space<hbm>>, %arg6: memref<2x10112x128xf32, #tpu.memory_space<hbm>>, %arg7: memref<10112x128xf32, #tpu.memory_space<vmem_shared>>, %arg8: memref<128xi32, #tpu.memory_space<vmem>>, %arg9: memref<128xi32, #tpu.memory_space<vmem>>, %arg10: memref<128x128xf32, #tpu.memory_space<vmem>>, %arg11: memref<!tpu.dma_semaphore, #tpu.memory_space<semaphore_mem>>) attributes {dimension_semantics = [#tpu.dimension_semantics<core_parallel>, #tpu.dimension_semantics<subcore_parallel>], iteration_bounds = array<i64: 2, 16>, scalar_prefetch = 0 : i64, scratch_operands = 5 : i64, tpu.core_type = #tpu.core_type<sc_vector_subcore>, window_params = [{transform_indices = #map}, {transform_indices = #map}, {transform_indices = #map1}, {transform_indices = #map1}, {transform_indices = #map2}]} {
    %mul3A = arith.constant 632 : i32
    %mul3A_0 = arith.muli %arg1, %mul3A : i32
    %mul3A_1 = arith.constant 632 : i32
    %mul3A_2 = arith.muli %arg1, %mul3A_1 : i32
    "tpu.region"() ({
      %run_scoped3A = tpu.sem_alloc : memref<!tpu.dma_semaphore, #tpu.memory_space<semaphore_mem>>
      %dma_start3A = arith.constant 0 : i32
      %dma_start3A_17 = tpu.memref_slice %arg7[%mul3A_2, %dma_start3A] : memref<10112x128xf32, #tpu.memory_space<vmem_shared>> -> memref<632x128xf32, #tpu.memory_space<vmem_shared>>
      %dma_start3A_18 = arith.constant 0 : i32
      %dma_start3A_19 = tpu.memref_slice %arg5[%mul3A_0, %dma_start3A_18] : memref<10112x128xf32, #tpu.memory_space<hbm>> -> memref<632x128xf32, #tpu.memory_space<hbm>>
      tpu.enqueue_dma source(%dma_start3A_19 : memref<632x128xf32, #tpu.memory_space<hbm>>) target(%dma_start3A_17 : memref<632x128xf32, #tpu.memory_space<vmem_shared>>) target_semaphore(%run_scoped3A : memref<!tpu.dma_semaphore, #tpu.memory_space<semaphore_mem>>)
      %dma_wait3A = arith.constant 0 : i32
      %dma_wait3A_20 = tpu.memref_slice %arg7[%mul3A_2, %dma_wait3A] : memref<10112x128xf32, #tpu.memory_space<vmem_shared>> -> memref<632x128xf32, #tpu.memory_space<vmem_shared>>
      %dma_wait3A_21 = arith.constant 0 : i32
      %dma_wait3A_22 = tpu.memref_slice %arg5[%mul3A_0, %dma_wait3A_21] : memref<10112x128xf32, #tpu.memory_space<hbm>> -> memref<632x128xf32, #tpu.memory_space<hbm>>
      tpu.wait_dma2 semaphore(%run_scoped3A : memref<!tpu.dma_semaphore, #tpu.memory_space<semaphore_mem>>) src(%dma_wait3A_22 : memref<632x128xf32, #tpu.memory_space<hbm>>) dst(%dma_wait3A_20 : memref<632x128xf32, #tpu.memory_space<vmem_shared>>)
      tpu.yield
    }) : () -> ()
    %barrier3A = arith.constant 0 : index
    tpu.barrier barrier_id(%barrier3A)
    %mul3A_3 = arith.constant 161792 : i32
    %mul3A_4 = arith.muli %arg0, %mul3A_3 : i32
    %mul3A_5 = arith.constant 10112 : i32
    %mul3A_6 = arith.muli %arg1, %mul3A_5 : i32
    %add3A = arith.addi %mul3A_4, %mul3A_6 : i32
    %scan3A = arith.constant 0 : i32
    %scan3A_7 = arith.constant 0 : i32
    %scan3A_8 = arith.constant 79 : i32
    %scan3A_9 = arith.addi %scan3A_7, %scan3A_8 : i32
    %scan3A_10 = arith.constant 1 : i32
    scf.for %scan3A_17 = %scan3A_7 to %scan3A_9 step %scan3A_10  : i32 {
      %mul3A_18 = arith.constant 128 : i32
      %mul3A_19 = arith.muli %scan3A_17, %mul3A_18 : i32
      %add3A_20 = arith.addi %add3A, %mul3A_19 : i32
      "tpu.region"() ({
        %run_scoped3A = tpu.sem_alloc : memref<!tpu.dma_semaphore, #tpu.memory_space<semaphore_mem>>
        %dma_start3A_25 = tpu.memref_slice %arg2[%add3A_20] : memref<323584xi32, #tpu.memory_space<hbm>> -> memref<128xi32, #tpu.memory_space<hbm>>
        %dma_start3A_26 = tpu.memref_slice %arg2[%add3A_20] : memref<323584xi32, #tpu.memory_space<hbm>> -> memref<128xi32, #tpu.memory_space<hbm>>
        tpu.enqueue_dma source(%dma_start3A_26 : memref<128xi32, #tpu.memory_space<hbm>>) target(%arg8 : memref<128xi32, #tpu.memory_space<vmem>>) target_semaphore(%run_scoped3A : memref<!tpu.dma_semaphore, #tpu.memory_space<semaphore_mem>>)
        %dma_wait3A_27 = tpu.memref_slice %arg2[%add3A_20] : memref<323584xi32, #tpu.memory_space<hbm>> -> memref<128xi32, #tpu.memory_space<hbm>>
        %dma_wait3A_28 = tpu.memref_slice %arg2[%add3A_20] : memref<323584xi32, #tpu.memory_space<hbm>> -> memref<128xi32, #tpu.memory_space<hbm>>
        tpu.wait_dma2 semaphore(%run_scoped3A : memref<!tpu.dma_semaphore, #tpu.memory_space<semaphore_mem>>) src(%dma_wait3A_28 : memref<128xi32, #tpu.memory_space<hbm>>) dst(%arg8 : memref<128xi32, #tpu.memory_space<vmem>>)
        tpu.yield
      }) : () -> ()
      "tpu.region"() ({
        %run_scoped3A = tpu.sem_alloc : memref<!tpu.dma_semaphore, #tpu.memory_space<semaphore_mem>>
        %dma_start3A_25 = tpu.memref_slice %arg3[%add3A_20] : memref<323584xi32, #tpu.memory_space<hbm>> -> memref<128xi32, #tpu.memory_space<hbm>>
        %dma_start3A_26 = tpu.memref_slice %arg3[%add3A_20] : memref<323584xi32, #tpu.memory_space<hbm>> -> memref<128xi32, #tpu.memory_space<hbm>>
        tpu.enqueue_dma source(%dma_start3A_26 : memref<128xi32, #tpu.memory_space<hbm>>) target(%arg9 : memref<128xi32, #tpu.memory_space<vmem>>) target_semaphore(%run_scoped3A : memref<!tpu.dma_semaphore, #tpu.memory_space<semaphore_mem>>)
        %dma_wait3A_27 = tpu.memref_slice %arg3[%add3A_20] : memref<323584xi32, #tpu.memory_space<hbm>> -> memref<128xi32, #tpu.memory_space<hbm>>
        %dma_wait3A_28 = tpu.memref_slice %arg3[%add3A_20] : memref<323584xi32, #tpu.memory_space<hbm>> -> memref<128xi32, #tpu.memory_space<hbm>>
        tpu.wait_dma2 semaphore(%run_scoped3A : memref<!tpu.dma_semaphore, #tpu.memory_space<semaphore_mem>>) src(%dma_wait3A_28 : memref<128xi32, #tpu.memory_space<hbm>>) dst(%arg9 : memref<128xi32, #tpu.memory_space<vmem>>)
        tpu.yield
      }) : () -> ()
      %dma_start3A = arith.constant 0 : i32
      %dma_start3A_21 = arith.constant 0 : i32
      %dma_start3A_22 = tpu.memref_slice %arg4[%dma_start3A, %dma_start3A_21] : memref<10000x128xf32, #tpu.memory_space<hbm>> -> memref<10000x128xf32, #tpu.memory_space<hbm>>
      tpu.enqueue_indirect_dma source(%dma_start3A_22 : memref<10000x128xf32, #tpu.memory_space<hbm>>) target(%arg10 : memref<128x128xf32, #tpu.memory_space<vmem>>) offsets(%arg8 : memref<128xi32, #tpu.memory_space<vmem>>) semaphore(%arg11 : memref<!tpu.dma_semaphore, #tpu.memory_space<semaphore_mem>>)
      %dma_wait3A = arith.constant 0 : i32
      %dma_wait3A_23 = arith.constant 0 : i32
      %dma_wait3A_24 = tpu.memref_slice %arg4[%dma_wait3A, %dma_wait3A_23] : memref<10000x128xf32, #tpu.memory_space<hbm>> -> memref<10000x128xf32, #tpu.memory_space<hbm>>
      tpu.wait_indirect_dma semaphore(%arg11 : memref<!tpu.dma_semaphore, #tpu.memory_space<semaphore_mem>>) src(%dma_wait3A_24 : memref<10000x128xf32, #tpu.memory_space<hbm>>) dst(%arg10 : memref<128x128xf32, #tpu.memory_space<vmem>>)
      "tpu.region"() ({
        %run_scoped3A = tpu.sem_alloc : memref<!tpu.dma_semaphore, #tpu.memory_space<semaphore_mem>>
        %dma_start3A_25 = arith.constant 0 : i32
        %dma_start3A_26 = arith.constant 0 : i32
        %dma_start3A_27 = tpu.memref_slice %arg7[%dma_start3A_25, %dma_start3A_26] : memref<10112x128xf32, #tpu.memory_space<vmem_shared>> -> memref<10112x128xf32, #tpu.memory_space<vmem_shared>>
        tpu.enqueue_indirect_dma source(%arg10 : memref<128x128xf32, #tpu.memory_space<vmem>>) target(%dma_start3A_27 : memref<10112x128xf32, #tpu.memory_space<vmem_shared>>) offsets(%arg9 : memref<128xi32, #tpu.memory_space<vmem>>) semaphore(%run_scoped3A : memref<!tpu.dma_semaphore, #tpu.memory_space<semaphore_mem>>) {add = true}
        %dma_wait3A_28 = arith.constant 0 : i32
        %dma_wait3A_29 = arith.constant 0 : i32
        %dma_wait3A_30 = tpu.memref_slice %arg7[%dma_wait3A_28, %dma_wait3A_29] : memref<10112x128xf32, #tpu.memory_space<vmem_shared>> -> memref<10112x128xf32, #tpu.memory_space<vmem_shared>>
        tpu.wait_indirect_dma semaphore(%run_scoped3A : memref<!tpu.dma_semaphore, #tpu.memory_space<semaphore_mem>>) src(%arg10 : memref<128x128xf32, #tpu.memory_space<vmem>>) dst(%dma_wait3A_30 : memref<10112x128xf32, #tpu.memory_space<vmem_shared>>)
        tpu.yield
      }) : () -> ()
    }
    %scan3A_11 = arith.constant 79 : i32
    %barrier3A_12 = arith.constant 0 : index
    tpu.barrier barrier_id(%barrier3A_12)
    %mul3A_13 = arith.constant 632 : i32
    %mul3A_14 = arith.muli %arg1, %mul3A_13 : i32
    %mul3A_15 = arith.constant 632 : i32
    %mul3A_16 = arith.muli %arg1, %mul3A_15 : i32
    "tpu.region"() ({
      %run_scoped3A = tpu.sem_alloc : memref<!tpu.dma_semaphore, #tpu.memory_space<semaphore_mem>>
      %dma_start3A = arith.constant 0 : i32
      %dma_start3A_17 = tpu.memref_slice %arg6[%arg0, %mul3A_16, %dma_start3A] : memref<2x10112x128xf32, #tpu.memory_space<hbm>> -> memref<1x632x128xf32, #tpu.memory_space<hbm>>
      %dma_start3A_18 = tpu.memref_squeeze %dma_start3A_17 : memref<1x632x128xf32, #tpu.memory_space<hbm>> -> memref<632x128xf32, #tpu.memory_space<hbm>>
      %dma_start3A_19 = arith.constant 0 : i32
      %dma_start3A_20 = tpu.memref_slice %arg7[%mul3A_14, %dma_start3A_19] : memref<10112x128xf32, #tpu.memory_space<vmem_shared>> -> memref<632x128xf32, #tpu.memory_space<vmem_shared>>
      tpu.enqueue_dma source(%dma_start3A_20 : memref<632x128xf32, #tpu.memory_space<vmem_shared>>) target(%dma_start3A_18 : memref<632x128xf32, #tpu.memory_space<hbm>>) target_semaphore(%run_scoped3A : memref<!tpu.dma_semaphore, #tpu.memory_space<semaphore_mem>>)
      %dma_wait3A = arith.constant 0 : i32
      %dma_wait3A_21 = tpu.memref_slice %arg6[%arg0, %mul3A_16, %dma_wait3A] : memref<2x10112x128xf32, #tpu.memory_space<hbm>> -> memref<1x632x128xf32, #tpu.memory_space<hbm>>
      %dma_wait3A_22 = tpu.memref_squeeze %dma_wait3A_21 : memref<1x632x128xf32, #tpu.memory_space<hbm>> -> memref<632x128xf32, #tpu.memory_space<hbm>>
      %dma_wait3A_23 = arith.constant 0 : i32
      %dma_wait3A_24 = tpu.memref_slice %arg7[%mul3A_14, %dma_wait3A_23] : memref<10112x128xf32, #tpu.memory_space<vmem_shared>> -> memref<632x128xf32, #tpu.memory_space<vmem_shared>>
      tpu.wait_dma2 semaphore(%run_scoped3A : memref<!tpu.dma_semaphore, #tpu.memory_space<semaphore_mem>>) src(%dma_wait3A_24 : memref<632x128xf32, #tpu.memory_space<vmem_shared>>) dst(%dma_wait3A_22 : memref<632x128xf32, #tpu.memory_space<hbm>>)
      tpu.yield
    }) : () -> ()
    return
  }
}

#map = affine_map<(d0, d1) -> (0)>
#map1 = affine_map<(d0, d1) -> (0, 0)>
#map2 = affine_map<(d0, d1) -> (0, 0, 0)>
module attributes {stable_mosaic.version = 14 : i64} {
  func.func @prop_kernel(%arg0: i32, %arg1: i32, %arg2: memref<323584xi32, #tpu.memory_space<hbm>>, %arg3: memref<323584xi32, #tpu.memory_space<hbm>>, %arg4: memref<10000x128xf32, #tpu.memory_space<hbm>>, %arg5: memref<10112x128xf32, #tpu.memory_space<hbm>>, %arg6: memref<2x10112x128xf32, #tpu.memory_space<hbm>>, %arg7: memref<10112x128xf32, #tpu.memory_space<vmem_shared>>, %arg8: memref<128xi32, #tpu.memory_space<vmem>>, %arg9: memref<128xi32, #tpu.memory_space<vmem>>, %arg10: memref<128x128xf32, #tpu.memory_space<vmem>>, %arg11: memref<!tpu.dma_semaphore, #tpu.memory_space<semaphore_mem>>) attributes {dimension_semantics = [#tpu.dimension_semantics<core_parallel>, #tpu.dimension_semantics<subcore_parallel>], iteration_bounds = array<i64: 2, 16>, scalar_prefetch = 0 : i64, scratch_operands = 5 : i64, tpu.core_type = #tpu.core_type<sc_vector_subcore>, window_params = [{transform_indices = #map}, {transform_indices = #map}, {transform_indices = #map1}, {transform_indices = #map1}, {transform_indices = #map2}]} {
    %mul3A = arith.constant 632 : i32
    %mul3A_0 = arith.muli %arg1, %mul3A : i32
    %mul3A_1 = arith.constant 632 : i32
    %mul3A_2 = arith.muli %arg1, %mul3A_1 : i32
    "tpu.region"() ({
      %run_scoped3A = tpu.sem_alloc : memref<!tpu.dma_semaphore, #tpu.memory_space<semaphore_mem>>
      %dma_start3A = arith.constant 0 : i32
      %dma_start3A_17 = tpu.memref_slice %arg7[%mul3A_2, %dma_start3A] : memref<10112x128xf32, #tpu.memory_space<vmem_shared>> -> memref<632x128xf32, #tpu.memory_space<vmem_shared>>
      %dma_start3A_18 = arith.constant 0 : i32
      %dma_start3A_19 = tpu.memref_slice %arg5[%mul3A_0, %dma_start3A_18] : memref<10112x128xf32, #tpu.memory_space<hbm>> -> memref<632x128xf32, #tpu.memory_space<hbm>>
      tpu.enqueue_dma source(%dma_start3A_19 : memref<632x128xf32, #tpu.memory_space<hbm>>) target(%dma_start3A_17 : memref<632x128xf32, #tpu.memory_space<vmem_shared>>) target_semaphore(%run_scoped3A : memref<!tpu.dma_semaphore, #tpu.memory_space<semaphore_mem>>)
      %dma_wait3A = arith.constant 0 : i32
      %dma_wait3A_20 = tpu.memref_slice %arg7[%mul3A_2, %dma_wait3A] : memref<10112x128xf32, #tpu.memory_space<vmem_shared>> -> memref<632x128xf32, #tpu.memory_space<vmem_shared>>
      %dma_wait3A_21 = arith.constant 0 : i32
      %dma_wait3A_22 = tpu.memref_slice %arg5[%mul3A_0, %dma_wait3A_21] : memref<10112x128xf32, #tpu.memory_space<hbm>> -> memref<632x128xf32, #tpu.memory_space<hbm>>
      tpu.wait_dma2 semaphore(%run_scoped3A : memref<!tpu.dma_semaphore, #tpu.memory_space<semaphore_mem>>) src(%dma_wait3A_22 : memref<632x128xf32, #tpu.memory_space<hbm>>) dst(%dma_wait3A_20 : memref<632x128xf32, #tpu.memory_space<vmem_shared>>)
      tpu.yield
    }) : () -> ()
    %barrier3A = arith.constant 0 : index
    tpu.barrier barrier_id(%barrier3A)
    %mul3A_3 = arith.constant 161792 : i32
    %mul3A_4 = arith.muli %arg0, %mul3A_3 : i32
    %mul3A_5 = arith.constant 10112 : i32
    %mul3A_6 = arith.muli %arg1, %mul3A_5 : i32
    %add3A = arith.addi %mul3A_4, %mul3A_6 : i32
    %scan3A = arith.constant 0 : i32
    %scan3A_7 = arith.constant 0 : i32
    %scan3A_8 = arith.constant 79 : i32
    %scan3A_9 = arith.addi %scan3A_7, %scan3A_8 : i32
    %scan3A_10 = arith.constant 1 : i32
    scf.for %scan3A_17 = %scan3A_7 to %scan3A_9 step %scan3A_10  : i32 {
      %mul3A_18 = arith.constant 128 : i32
      %mul3A_19 = arith.muli %scan3A_17, %mul3A_18 : i32
      %add3A_20 = arith.addi %add3A, %mul3A_19 : i32
      "tpu.region"() ({
        %run_scoped3A = tpu.sem_alloc : memref<!tpu.dma_semaphore, #tpu.memory_space<semaphore_mem>>
        %dma_start3A_25 = tpu.memref_slice %arg2[%add3A_20] : memref<323584xi32, #tpu.memory_space<hbm>> -> memref<128xi32, #tpu.memory_space<hbm>>
        %dma_start3A_26 = tpu.memref_slice %arg2[%add3A_20] : memref<323584xi32, #tpu.memory_space<hbm>> -> memref<128xi32, #tpu.memory_space<hbm>>
        tpu.enqueue_dma source(%dma_start3A_26 : memref<128xi32, #tpu.memory_space<hbm>>) target(%arg8 : memref<128xi32, #tpu.memory_space<vmem>>) target_semaphore(%run_scoped3A : memref<!tpu.dma_semaphore, #tpu.memory_space<semaphore_mem>>)
        %dma_wait3A_27 = tpu.memref_slice %arg2[%add3A_20] : memref<323584xi32, #tpu.memory_space<hbm>> -> memref<128xi32, #tpu.memory_space<hbm>>
        %dma_wait3A_28 = tpu.memref_slice %arg2[%add3A_20] : memref<323584xi32, #tpu.memory_space<hbm>> -> memref<128xi32, #tpu.memory_space<hbm>>
        tpu.wait_dma2 semaphore(%run_scoped3A : memref<!tpu.dma_semaphore, #tpu.memory_space<semaphore_mem>>) src(%dma_wait3A_28 : memref<128xi32, #tpu.memory_space<hbm>>) dst(%arg8 : memref<128xi32, #tpu.memory_space<vmem>>)
        tpu.yield
      }) : () -> ()
      "tpu.region"() ({
        %run_scoped3A = tpu.sem_alloc : memref<!tpu.dma_semaphore, #tpu.memory_space<semaphore_mem>>
        %dma_start3A_25 = tpu.memref_slice %arg3[%add3A_20] : memref<323584xi32, #tpu.memory_space<hbm>> -> memref<128xi32, #tpu.memory_space<hbm>>
        %dma_start3A_26 = tpu.memref_slice %arg3[%add3A_20] : memref<323584xi32, #tpu.memory_space<hbm>> -> memref<128xi32, #tpu.memory_space<hbm>>
        tpu.enqueue_dma source(%dma_start3A_26 : memref<128xi32, #tpu.memory_space<hbm>>) target(%arg9 : memref<128xi32, #tpu.memory_space<vmem>>) target_semaphore(%run_scoped3A : memref<!tpu.dma_semaphore, #tpu.memory_space<semaphore_mem>>)
        %dma_wait3A_27 = tpu.memref_slice %arg3[%add3A_20] : memref<323584xi32, #tpu.memory_space<hbm>> -> memref<128xi32, #tpu.memory_space<hbm>>
        %dma_wait3A_28 = tpu.memref_slice %arg3[%add3A_20] : memref<323584xi32, #tpu.memory_space<hbm>> -> memref<128xi32, #tpu.memory_space<hbm>>
        tpu.wait_dma2 semaphore(%run_scoped3A : memref<!tpu.dma_semaphore, #tpu.memory_space<semaphore_mem>>) src(%dma_wait3A_28 : memref<128xi32, #tpu.memory_space<hbm>>) dst(%arg9 : memref<128xi32, #tpu.memory_space<vmem>>)
        tpu.yield
      }) : () -> ()
      %dma_start3A = arith.constant 0 : i32
      %dma_start3A_21 = arith.constant 0 : i32
      %dma_start3A_22 = tpu.memref_slice %arg4[%dma_start3A, %dma_start3A_21] : memref<10000x128xf32, #tpu.memory_space<hbm>> -> memref<10000x128xf32, #tpu.memory_space<hbm>>
      tpu.enqueue_indirect_dma source(%dma_start3A_22 : memref<10000x128xf32, #tpu.memory_space<hbm>>) target(%arg10 : memref<128x128xf32, #tpu.memory_space<vmem>>) offsets(%arg8 : memref<128xi32, #tpu.memory_space<vmem>>) semaphore(%arg11 : memref<!tpu.dma_semaphore, #tpu.memory_space<semaphore_mem>>)
      %dma_wait3A = arith.constant 0 : i32
      %dma_wait3A_23 = arith.constant 0 : i32
      %dma_wait3A_24 = tpu.memref_slice %arg4[%dma_wait3A, %dma_wait3A_23] : memref<10000x128xf32, #tpu.memory_space<hbm>> -> memref<10000x128xf32, #tpu.memory_space<hbm>>
      tpu.wait_indirect_dma semaphore(%arg11 : memref<!tpu.dma_semaphore, #tpu.memory_space<semaphore_mem>>) src(%dma_wait3A_24 : memref<10000x128xf32, #tpu.memory_space<hbm>>) dst(%arg10 : memref<128x128xf32, #tpu.memory_space<vmem>>)
      "tpu.region"() ({
        %run_scoped3A = tpu.sem_alloc : memref<!tpu.dma_semaphore, #tpu.memory_space<semaphore_mem>>
        %dma_start3A_25 = arith.constant 0 : i32
        %dma_start3A_26 = arith.constant 0 : i32
        %dma_start3A_27 = tpu.memref_slice %arg7[%dma_start3A_25, %dma_start3A_26] : memref<10112x128xf32, #tpu.memory_space<vmem_shared>> -> memref<10112x128xf32, #tpu.memory_space<vmem_shared>>
        tpu.enqueue_indirect_dma source(%arg10 : memref<128x128xf32, #tpu.memory_space<vmem>>) target(%dma_start3A_27 : memref<10112x128xf32, #tpu.memory_space<vmem_shared>>) offsets(%arg9 : memref<128xi32, #tpu.memory_space<vmem>>) semaphore(%run_scoped3A : memref<!tpu.dma_semaphore, #tpu.memory_space<semaphore_mem>>) {add = true}
        %dma_wait3A_28 = arith.constant 0 : i32
        %dma_wait3A_29 = arith.constant 0 : i32
        %dma_wait3A_30 = tpu.memref_slice %arg7[%dma_wait3A_28, %dma_wait3A_29] : memref<10112x128xf32, #tpu.memory_space<vmem_shared>> -> memref<10112x128xf32, #tpu.memory_space<vmem_shared>>
        tpu.wait_indirect_dma semaphore(%run_scoped3A : memref<!tpu.dma_semaphore, #tpu.memory_space<semaphore_mem>>) src(%arg10 : memref<128x128xf32, #tpu.memory_space<vmem>>) dst(%dma_wait3A_30 : memref<10112x128xf32, #tpu.memory_space<vmem_shared>>)
        tpu.yield
      }) : () -> ()
    }
    %scan3A_11 = arith.constant 79 : i32
    %barrier3A_12 = arith.constant 0 : index
    tpu.barrier barrier_id(%barrier3A_12)
    %mul3A_13 = arith.constant 632 : i32
    %mul3A_14 = arith.muli %arg1, %mul3A_13 : i32
    %mul3A_15 = arith.constant 632 : i32
    %mul3A_16 = arith.muli %arg1, %mul3A_15 : i32
    "tpu.region"() ({
      %run_scoped3A = tpu.sem_alloc : memref<!tpu.dma_semaphore, #tpu.memory_space<semaphore_mem>>
      %dma_start3A = arith.constant 0 : i32
      %dma_start3A_17 = tpu.memref_slice %arg6[%arg0, %mul3A_16, %dma_start3A] : memref<2x10112x128xf32, #tpu.memory_space<hbm>> -> memref<1x632x128xf32, #tpu.memory_space<hbm>>
      %dma_start3A_18 = tpu.memref_squeeze %dma_start3A_17 : memref<1x632x128xf32, #tpu.memory_space<hbm>> -> memref<632x128xf32, #tpu.memory_space<hbm>>
      %dma_start3A_19 = arith.constant 0 : i32
      %dma_start3A_20 = tpu.memref_slice %arg7[%mul3A_14, %dma_start3A_19] : memref<10112x128xf32, #tpu.memory_space<vmem_shared>> -> memref<632x128xf32, #tpu.memory_space<vmem_shared>>
      tpu.enqueue_dma source(%dma_start3A_20 : memref<632x128xf32, #tpu.memory_space<vmem_shared>>) target(%dma_start3A_18 : memref<632x128xf32, #tpu.memory_space<hbm>>) target_semaphore(%run_scoped3A : memref<!tpu.dma_semaphore, #tpu.memory_space<semaphore_mem>>)
      %dma_wait3A = arith.constant 0 : i32
      %dma_wait3A_21 = tpu.memref_slice %arg6[%arg0, %mul3A_16, %dma_wait3A] : memref<2x10112x128xf32, #tpu.memory_space<hbm>> -> memref<1x632x128xf32, #tpu.memory_space<hbm>>
      %dma_wait3A_22 = tpu.memref_squeeze %dma_wait3A_21 : memref<1x632x128xf32, #tpu.memory_space<hbm>> -> memref<632x128xf32, #tpu.memory_space<hbm>>
      %dma_wait3A_23 = arith.constant 0 : i32
      %dma_wait3A_24 = tpu.memref_slice %arg7[%mul3A_14, %dma_wait3A_23] : memref<10112x128xf32, #tpu.memory_space<vmem_shared>> -> memref<632x128xf32, #tpu.memory_space<vmem_shared>>
      tpu.wait_dma2 semaphore(%run_scoped3A : memref<!tpu.dma_semaphore, #tpu.memory_space<semaphore_mem>>) src(%dma_wait3A_24 : memref<632x128xf32, #tpu.memory_space<vmem_shared>>) dst(%dma_wait3A_22 : memref<632x128xf32, #tpu.memory_space<hbm>>)
      tpu.yield
    }) : () -> ()
    return
  }
}

module attributes {stable_mosaic.version = 14 : i64} {
  func.func @_combine_body(%arg0: i32, %arg1: memref<2x400x128xf32, #tpu.memory_space<vmem>>, %arg2: memref<400x128xf32, #tpu.memory_space<vmem>>, %arg3: memref<400x1xf32, #tpu.memory_space<vmem>>, %arg4: memref<400x128xf32, #tpu.memory_space<vmem>>) attributes {dimension_semantics = [#tpu.dimension_semantics<arbitrary>], iteration_bounds = array<i64: 25>, scalar_prefetch = 0 : i64, scratch_operands = 0 : i64, tpu.core_type = #tpu.core_type<tc>, window_params = [{transform_indices = @transform_0, window_bounds = array<i64: 2, 400, 128>}, {transform_indices = @transform_1, window_bounds = array<i64: 400, 128>}, {transform_indices = @transform_2, window_bounds = array<i64: 400, 1>}, {transform_indices = @transform_3, window_bounds = array<i64: 400, 128>}]} {
    %get3A = arith.constant 0 : index
    %get3A_0 = arith.constant 0 : index
    %get3A_1 = arith.constant 0 : index
    %get3A_2 = vector.load %arg1[%get3A, %get3A_0, %get3A_1] : memref<2x400x128xf32, #tpu.memory_space<vmem>>, vector<1x400x128xf32>
    %get3A_3 = vector.shape_cast %get3A_2 : vector<1x400x128xf32> to vector<400x128xf32>
    %get3A_4 = arith.constant 1 : index
    %get3A_5 = arith.constant 0 : index
    %get3A_6 = arith.constant 0 : index
    %get3A_7 = vector.load %arg1[%get3A_4, %get3A_5, %get3A_6] : memref<2x400x128xf32, #tpu.memory_space<vmem>>, vector<1x400x128xf32>
    %get3A_8 = vector.shape_cast %get3A_7 : vector<1x400x128xf32> to vector<400x128xf32>
    %add3A = arith.addf %get3A_3, %get3A_8 : vector<400x128xf32>
    %get3A_9 = arith.constant 0 : index
    %get3A_10 = arith.constant 0 : index
    %get3A_11 = vector.load %arg2[%get3A_9, %get3A_10] : memref<400x128xf32, #tpu.memory_space<vmem>>, vector<400x128xf32>
    %add3A_12 = arith.addf %add3A, %get3A_11 : vector<400x128xf32>
    %get3A_13 = arith.constant 0 : index
    %get3A_14 = arith.constant 0 : index
    %get3A_15 = vector.load %arg3[%get3A_13, %get3A_14] : memref<400x1xf32, #tpu.memory_space<vmem>>, vector<400x1xf32>
    %mul3A = vector.broadcast %get3A_15 : vector<400x1xf32> to vector<400x128xf32>
    %mul3A_16 = arith.mulf %add3A_12, %mul3A : vector<400x128xf32>
    %swap3A = arith.constant 0 : index
    %swap3A_17 = arith.constant 0 : index
    %swap3A_18 = vector.load %arg4[%swap3A, %swap3A_17] : memref<400x128xf32, #tpu.memory_space<vmem>>, vector<400x128xf32>
    tpu.vector_store %arg4[%swap3A, %swap3A_17], %mul3A_16 {strides = array<i32>} : memref<400x128xf32, #tpu.memory_space<vmem>>, vector<400x128xf32>,
    return
  }
  func.func @transform_0(%arg0: i32) -> (i32, i32, i32) {
    %c0_i32 = arith.constant 0 : i32
    %c0_i32_0 = arith.constant 0 : i32
    %c0_i32_1 = arith.constant 0 : i32
    return %c0_i32, %arg0, %c0_i32_0 : i32, i32, i32
  }
  func.func @transform_1(%arg0: i32) -> (i32, i32) {
    %c0_i32 = arith.constant 0 : i32
    %c0_i32_0 = arith.constant 0 : i32
    return %arg0, %c0_i32 : i32, i32
  }
  func.func @transform_2(%arg0: i32) -> (i32, i32) {
    %c0_i32 = arith.constant 0 : i32
    %c0_i32_0 = arith.constant 0 : i32
    return %arg0, %c0_i32 : i32, i32
  }
  func.func @transform_3(%arg0: i32) -> (i32, i32) {
    %c0_i32 = arith.constant 0 : i32
    %c0_i32_0 = arith.constant 0 : i32
    return %arg0, %c0_i32 : i32, i32
  }
}

module attributes {stable_mosaic.version = 14 : i64} {
  func.func @_prep_body(%arg0: i32, %arg1: memref<2x400x128xf32, #tpu.memory_space<vmem>>, %arg2: memref<400x128xf32, #tpu.memory_space<vmem>>, %arg3: memref<400x128xf32, #tpu.memory_space<vmem>>, %arg4: memref<400x1xf32, #tpu.memory_space<vmem>>, %arg5: memref<400x1xf32, #tpu.memory_space<vmem>>) attributes {dimension_semantics = [#tpu.dimension_semantics<arbitrary>], iteration_bounds = array<i64: 25>, scalar_prefetch = 0 : i64, scratch_operands = 0 : i64, tpu.core_type = #tpu.core_type<tc>, window_params = [{transform_indices = @transform_0, window_bounds = array<i64: 2, 400, 128>}, {transform_indices = @transform_1, window_bounds = array<i64: 400, 128>}, {transform_indices = @transform_2, window_bounds = array<i64: 400, 128>}, {transform_indices = @transform_3, window_bounds = array<i64: 400, 1>}, {transform_indices = @transform_4, window_bounds = array<i64: 400, 1>}]} {
    %get3A = arith.constant 0 : index
    %get3A_0 = arith.constant 0 : index
    %get3A_1 = arith.constant 0 : index
    %get3A_2 = vector.load %arg1[%get3A, %get3A_0, %get3A_1] : memref<2x400x128xf32, #tpu.memory_space<vmem>>, vector<1x400x1xf32>
    %get3A_3 = vector.shape_cast %get3A_2 : vector<1x400x1xf32> to vector<400x1xf32>
    %add3A = arith.constant 1.000000e+00 : f32
    %add3A_4 = vector.broadcast %add3A : f32 to vector<400x1xf32>
    %add3A_5 = arith.addf %add3A_4, %get3A_3 : vector<400x1xf32>
    %get3A_6 = arith.constant 1 : index
    %get3A_7 = arith.constant 0 : index
    %get3A_8 = arith.constant 0 : index
    %get3A_9 = vector.load %arg1[%get3A_6, %get3A_7, %get3A_8] : memref<2x400x128xf32, #tpu.memory_space<vmem>>, vector<1x400x1xf32>
    %get3A_10 = vector.shape_cast %get3A_9 : vector<1x400x1xf32> to vector<400x1xf32>
    %add3A_11 = arith.addf %add3A_5, %get3A_10 : vector<400x1xf32>
    %rsqrt3A = math.rsqrt %add3A_11 : vector<400x1xf32>
    %get3A_12 = arith.constant 0 : index
    %get3A_13 = arith.constant 0 : index
    %get3A_14 = vector.load %arg2[%get3A_12, %get3A_13] : memref<400x128xf32, #tpu.memory_space<vmem>>, vector<400x128xf32>
    %mul3A = vector.broadcast %rsqrt3A : vector<400x1xf32> to vector<400x128xf32>
    %mul3A_15 = arith.mulf %get3A_14, %mul3A : vector<400x128xf32>
    %swap3A = arith.constant 0 : index
    %swap3A_16 = arith.constant 0 : index
    %swap3A_17 = vector.load %arg3[%swap3A, %swap3A_16] : memref<400x128xf32, #tpu.memory_space<vmem>>, vector<400x128xf32>
    tpu.vector_store %arg3[%swap3A, %swap3A_16], %mul3A_15 {strides = array<i32>} : memref<400x128xf32, #tpu.memory_space<vmem>>, vector<400x128xf32>,
    %div3A = arith.constant 1.000000e+00 : f32
    %div3A_18 = vector.broadcast %div3A : f32 to vector<400x1xf32>
    %div3A_19 = arith.divf %div3A_18, %add3A_11 : vector<400x1xf32>
    %swap3A_20 = arith.constant 0 : index
    %swap3A_21 = arith.constant 0 : index
    %swap3A_22 = vector.load %arg4[%swap3A_20, %swap3A_21] : memref<400x1xf32, #tpu.memory_space<vmem>>, vector<400x1xf32>
    tpu.vector_store %arg4[%swap3A_20, %swap3A_21], %div3A_19 {strides = array<i32>} : memref<400x1xf32, #tpu.memory_space<vmem>>, vector<400x1xf32>,
    %sqrt3A = math.sqrt %add3A_11 : vector<400x1xf32>
    %swap3A_23 = arith.constant 0 : index
    %swap3A_24 = arith.constant 0 : index
    %swap3A_25 = vector.load %arg5[%swap3A_23, %swap3A_24] : memref<400x1xf32, #tpu.memory_space<vmem>>, vector<400x1xf32>
    tpu.vector_store %arg5[%swap3A_23, %swap3A_24], %sqrt3A {strides = array<i32>} : memref<400x1xf32, #tpu.memory_space<vmem>>, vector<400x1xf32>,
    return
  }
  func.func @transform_0(%arg0: i32) -> (i32, i32, i32) {
    %c0_i32 = arith.constant 0 : i32
    %c0_i32_0 = arith.constant 0 : i32
    %c0_i32_1 = arith.constant 0 : i32
    return %c0_i32, %arg0, %c0_i32_0 : i32, i32, i32
  }
  func.func @transform_1(%arg0: i32) -> (i32, i32) {
    %c0_i32 = arith.constant 0 : i32
    %c0_i32_0 = arith.constant 0 : i32
    return %arg0, %c0_i32 : i32, i32
  }
  func.func @transform_2(%arg0: i32) -> (i32, i32) {
    %c0_i32 = arith.constant 0 : i32
    %c0_i32_0 = arith.constant 0 : i32
    return %arg0, %c0_i32 : i32, i32
  }
  func.func @transform_3(%arg0: i32) -> (i32, i32) {
    %c0_i32 = arith.constant 0 : i32
    %c0_i32_0 = arith.constant 0 : i32
    return %arg0, %c0_i32 : i32, i32
  }
  func.func @transform_4(%arg0: i32) -> (i32, i32) {
    %c0_i32 = arith.constant 0 : i32
    %c0_i32_0 = arith.constant 0 : i32
    return %arg0, %c0_i32 : i32, i32
  }
}

module attributes {stable_mosaic.version = 14 : i64} {
  func.func @_mlp_body(%arg0: i32, %arg1: memref<400x128xf32, #tpu.memory_space<vmem>>, %arg2: memref<400x128xf32, #tpu.memory_space<vmem>>, %arg3: memref<400x128xf32, #tpu.memory_space<vmem>>, %arg4: memref<400x128xf32, #tpu.memory_space<vmem>>, %arg5: memref<400x1xf32, #tpu.memory_space<vmem>>, %arg6: memref<4x128x128xf32, #tpu.memory_space<vmem>>, %arg7: memref<4x128xf32, #tpu.memory_space<vmem>>, %arg8: memref<4x128xf32, #tpu.memory_space<vmem>>, %arg9: memref<4x128xf32, #tpu.memory_space<vmem>>, %arg10: memref<512x128xf32, #tpu.memory_space<vmem>>, %arg11: memref<1x128xf32, #tpu.memory_space<vmem>>, %arg12: memref<1x128xf32, #tpu.memory_space<vmem>>, %arg13: memref<1x128xf32, #tpu.memory_space<vmem>>, %arg14: memref<400x128xf32, #tpu.memory_space<vmem>>) attributes {dimension_semantics = [#tpu.dimension_semantics<arbitrary>], iteration_bounds = array<i64: 25>, scalar_prefetch = 0 : i64, scratch_operands = 0 : i64, tpu.core_type = #tpu.core_type<tc>, window_params = [{transform_indices = @transform_0, window_bounds = array<i64: 400, 128>}, {transform_indices = @transform_1, window_bounds = array<i64: 400, 128>}, {transform_indices = @transform_2, window_bounds = array<i64: 400, 128>}, {transform_indices = @transform_3, window_bounds = array<i64: 400, 128>}, {transform_indices = @transform_4, window_bounds = array<i64: 400, 1>}, {pipeline_mode = #tpu.pipeline_mode<synchronous>, transform_indices = @transform_5, window_bounds = array<i64: 4, 128, 128>}, {pipeline_mode = #tpu.pipeline_mode<synchronous>, transform_indices = @transform_6, window_bounds = array<i64: 4, 128>}, {pipeline_mode = #tpu.pipeline_mode<synchronous>, transform_indices = @transform_7, window_bounds = array<i64: 4, 128>}, {pipeline_mode = #tpu.pipeline_mode<synchronous>, transform_indices = @transform_8, window_bounds = array<i64: 4, 128>}, {pipeline_mode = #tpu.pipeline_mode<synchronous>, transform_indices = @transform_9, window_bounds = array<i64: 512, 128>}, {pipeline_mode = #tpu.pipeline_mode<synchronous>, transform_indices = @transform_10, window_bounds = array<i64: 1, 128>}, {pipeline_mode = #tpu.pipeline_mode<synchronous>, transform_indices = @transform_11, window_bounds = array<i64: 1, 128>}, {pipeline_mode = #tpu.pipeline_mode<synchronous>, transform_indices = @transform_12, window_bounds = array<i64: 1, 128>}, {transform_indices = @transform_13, window_bounds = array<i64: 400, 128>}]} {
    %get3A = arith.constant 0 : index
    %get3A_0 = arith.constant 0 : index
    %get3A_1 = vector.load %arg5[%get3A, %get3A_0] : memref<400x1xf32, #tpu.memory_space<vmem>>, vector<400x1xf32>
    %get3A_2 = arith.constant 0 : index
    %get3A_3 = arith.constant 0 : index
    %get3A_4 = vector.load %arg1[%get3A_2, %get3A_3] : memref<400x128xf32, #tpu.memory_space<vmem>>, vector<400x128xf32>
    %get3A_5 = arith.constant 0 : index
    %get3A_6 = arith.constant 0 : index
    %get3A_7 = vector.load %arg2[%get3A_5, %get3A_6] : memref<400x128xf32, #tpu.memory_space<vmem>>, vector<400x128xf32>
    %mul3A = vector.broadcast %get3A_1 : vector<400x1xf32> to vector<400x128xf32>
    %mul3A_8 = arith.mulf %get3A_7, %mul3A : vector<400x128xf32>
    %get3A_9 = arith.constant 0 : index
    %get3A_10 = arith.constant 0 : index
    %get3A_11 = vector.load %arg3[%get3A_9, %get3A_10] : memref<400x128xf32, #tpu.memory_space<vmem>>, vector<400x128xf32>
    %mul3A_12 = vector.broadcast %get3A_1 : vector<400x1xf32> to vector<400x128xf32>
    %mul3A_13 = arith.mulf %get3A_11, %mul3A_12 : vector<400x128xf32>
    %get3A_14 = arith.constant 0 : index
    %get3A_15 = arith.constant 0 : index
    %get3A_16 = vector.load %arg4[%get3A_14, %get3A_15] : memref<400x128xf32, #tpu.memory_space<vmem>>, vector<400x128xf32>
    %mul3A_17 = vector.broadcast %get3A_1 : vector<400x1xf32> to vector<400x128xf32>
    %mul3A_18 = arith.mulf %get3A_16, %mul3A_17 : vector<400x128xf32>
    %get3A_19 = arith.constant 0 : index
    %get3A_20 = arith.constant 0 : index
    %get3A_21 = arith.constant 0 : index
    %get3A_22 = vector.load %arg6[%get3A_19, %get3A_20, %get3A_21] : memref<4x128x128xf32, #tpu.memory_space<vmem>>, vector<1x128x128xf32>
    %get3A_23 = vector.shape_cast %get3A_22 : vector<1x128x128xf32> to vector<128x128xf32>
    %dot_general3A = arith.constant dense<0.000000e+00> : vector<400x128xf32>
    %dot_general3A_24 = tpu.matmul %get3A_4, %get3A_23, %dot_general3A {dimension_numbers = #tpu.dot_dimension_numbers<[1], [0], [0], [1], [0, 0, 1, 1], [], []>, transpose_lhs_hint = false} : vector<400x128xf32>, vector<128x128xf32>, vector<400x128xf32> -> vector<400x128xf32>
    %get3A_25 = arith.constant 0 : index
    %get3A_26 = arith.constant 0 : index
    %get3A_27 = vector.load %arg7[%get3A_25, %get3A_26] : memref<4x128xf32, #tpu.memory_space<vmem>>, vector<1x128xf32>
    %add3A = vector.broadcast %get3A_27 : vector<1x128xf32> to vector<400x128xf32>
    %add3A_28 = arith.addf %dot_general3A_24, %add3A : vector<400x128xf32>
    %get3A_29 = arith.constant 0 : index
    %get3A_30 = arith.constant 0 : index
    %get3A_31 = vector.load %arg8[%get3A_29, %get3A_30] : memref<4x128xf32, #tpu.memory_space<vmem>>, vector<1x128xf32>
    %get3A_32 = arith.constant 0 : index
    %get3A_33 = arith.constant 0 : index
    %get3A_34 = vector.load %arg9[%get3A_32, %get3A_33] : memref<4x128xf32, #tpu.memory_space<vmem>>, vector<1x128xf32>
    %reduce_sum3A = arith.constant dense<0.000000e+00> : vector<400xf32>
    %reduce_sum3A_35 = vector.multi_reduction <add>, %add3A_28, %reduce_sum3A [1] : vector<400x128xf32> to vector<400xf32>
    %broadcast_in_dim3A = vector.shape_cast %reduce_sum3A_35 : vector<400xf32> to vector<400x1xf32>
    %div3A = arith.constant 1.280000e+02 : f32
    %div3A_36 = vector.broadcast %div3A : f32 to vector<400x1xf32>
    %div3A_37 = arith.divf %broadcast_in_dim3A, %div3A_36 : vector<400x1xf32>
    %jit3A = arith.constant 0 : i32
    %reduce_sum3A_38 = arith.constant dense<0.000000e+00> : vector<400xf32>
    %reduce_sum3A_39 = vector.multi_reduction <add>, %add3A_28, %reduce_sum3A_38 [1] : vector<400x128xf32> to vector<400xf32>
    %broadcast_in_dim3A_40 = vector.shape_cast %reduce_sum3A_39 : vector<400xf32> to vector<400x1xf32>
    %div3A_41 = arith.constant 1.280000e+02 : f32
    %div3A_42 = vector.broadcast %div3A_41 : f32 to vector<400x1xf32>
    %div3A_43 = arith.divf %broadcast_in_dim3A_40, %div3A_42 : vector<400x1xf32>
    %sub3A = vector.broadcast %div3A_43 : vector<400x1xf32> to vector<400x128xf32>
    %sub3A_44 = arith.subf %add3A_28, %sub3A : vector<400x128xf32>
    %square3A = arith.mulf %sub3A_44, %sub3A_44 : vector<400x128xf32>
    %convert_element_type3A = arith.sitofp %jit3A : i32 to f32
    %sub3A_45 = arith.constant 1.280000e+02 : f32
    %sub3A_46 = arith.subf %sub3A_45, %convert_element_type3A : f32
    %reduce_sum3A_47 = arith.constant dense<0.000000e+00> : vector<400xf32>
    %reduce_sum3A_48 = vector.multi_reduction <add>, %square3A, %reduce_sum3A_47 [1] : vector<400x128xf32> to vector<400xf32>
    %broadcast_in_dim3A_49 = vector.shape_cast %reduce_sum3A_48 : vector<400xf32> to vector<400x1xf32>
    %div3A_50 = vector.broadcast %sub3A_46 : f32 to vector<400x1xf32>
    %div3A_51 = arith.divf %broadcast_in_dim3A_49, %div3A_50 : vector<400x1xf32>
    %gt3A = arith.constant 0.000000e+00 : f32
    %gt3A_52 = arith.cmpf ogt, %sub3A_46, %gt3A : f32
    %jit3A_53 = arith.constant 0x7FC00000 : f32
    %broadcast_in_dim3A_54 = vector.broadcast %jit3A_53 : f32 to vector<400x1xf32>
    %select_n3A = arith.select %gt3A_52, %div3A_51, %broadcast_in_dim3A_54 : vector<400x1xf32>
    %sub3A_55 = vector.broadcast %div3A_37 : vector<400x1xf32> to vector<400x128xf32>
    %sub3A_56 = arith.subf %add3A_28, %sub3A_55 : vector<400x128xf32>
    %add3A_57 = arith.constant 9.99999974E-6 : f32
    %add3A_58 = vector.broadcast %add3A_57 : f32 to vector<400x1xf32>
    %add3A_59 = arith.addf %select_n3A, %add3A_58 : vector<400x1xf32>
    %sqrt3A = math.sqrt %add3A_59 : vector<400x1xf32>
    %div3A_60 = vector.broadcast %sqrt3A : vector<400x1xf32> to vector<400x128xf32>
    %div3A_61 = arith.divf %sub3A_56, %div3A_60 : vector<400x128xf32>
    %mul3A_62 = vector.broadcast %get3A_31 : vector<1x128xf32> to vector<400x128xf32>
    %mul3A_63 = arith.mulf %div3A_61, %mul3A_62 : vector<400x128xf32>
    %add3A_64 = vector.broadcast %get3A_34 : vector<1x128xf32> to vector<400x128xf32>
    %add3A_65 = arith.addf %mul3A_63, %add3A_64 : vector<400x128xf32>
    %max3A = arith.constant 0.000000e+00 : f32
    %max3A_66 = vector.broadcast %max3A : f32 to vector<400x128xf32>
    %max3A_67 = arith.maximumf %add3A_65, %max3A_66 : vector<400x128xf32>
    %get3A_68 = arith.constant 0 : index
    %get3A_69 = arith.constant 0 : index
    %get3A_70 = vector.load %arg10[%get3A_68, %get3A_69] : memref<512x128xf32, #tpu.memory_space<vmem>>, vector<128x128xf32>
    %dot_general3A_71 = arith.constant dense<0.000000e+00> : vector<400x128xf32>
    %dot_general3A_72 = tpu.matmul %max3A_67, %get3A_70, %dot_general3A_71 {dimension_numbers = #tpu.dot_dimension_numbers<[1], [0], [0], [1], [0, 0, 1, 1], [], []>, transpose_lhs_hint = false} : vector<400x128xf32>, vector<128x128xf32>, vector<400x128xf32> -> vector<400x128xf32>
    %get3A_73 = arith.constant 1 : index
    %get3A_74 = arith.constant 0 : index
    %get3A_75 = arith.constant 0 : index
    %get3A_76 = vector.load %arg6[%get3A_73, %get3A_74, %get3A_75] : memref<4x128x128xf32, #tpu.memory_space<vmem>>, vector<1x128x128xf32>
    %get3A_77 = vector.shape_cast %get3A_76 : vector<1x128x128xf32> to vector<128x128xf32>
    %dot_general3A_78 = arith.constant dense<0.000000e+00> : vector<400x128xf32>
    %dot_general3A_79 = tpu.matmul %mul3A_8, %get3A_77, %dot_general3A_78 {dimension_numbers = #tpu.dot_dimension_numbers<[1], [0], [0], [1], [0, 0, 1, 1], [], []>, transpose_lhs_hint = false} : vector<400x128xf32>, vector<128x128xf32>, vector<400x128xf32> -> vector<400x128xf32>
    %get3A_80 = arith.constant 1 : index
    %get3A_81 = arith.constant 0 : index
    %get3A_82 = vector.load %arg7[%get3A_80, %get3A_81] : memref<4x128xf32, #tpu.memory_space<vmem>>, vector<1x128xf32>
    %add3A_83 = vector.broadcast %get3A_82 : vector<1x128xf32> to vector<400x128xf32>
    %add3A_84 = arith.addf %dot_general3A_79, %add3A_83 : vector<400x128xf32>
    %get3A_85 = arith.constant 1 : index
    %get3A_86 = arith.constant 0 : index
    %get3A_87 = vector.load %arg8[%get3A_85, %get3A_86] : memref<4x128xf32, #tpu.memory_space<vmem>>, vector<1x128xf32>
    %get3A_88 = arith.constant 1 : index
    %get3A_89 = arith.constant 0 : index
    %get3A_90 = vector.load %arg9[%get3A_88, %get3A_89] : memref<4x128xf32, #tpu.memory_space<vmem>>, vector<1x128xf32>
    %reduce_sum3A_91 = arith.constant dense<0.000000e+00> : vector<400xf32>
    %reduce_sum3A_92 = vector.multi_reduction <add>, %add3A_84, %reduce_sum3A_91 [1] : vector<400x128xf32> to vector<400xf32>
    %broadcast_in_dim3A_93 = vector.shape_cast %reduce_sum3A_92 : vector<400xf32> to vector<400x1xf32>
    %div3A_94 = arith.constant 1.280000e+02 : f32
    %div3A_95 = vector.broadcast %div3A_94 : f32 to vector<400x1xf32>
    %div3A_96 = arith.divf %broadcast_in_dim3A_93, %div3A_95 : vector<400x1xf32>
    %jit3A_97 = arith.constant 0 : i32
    %reduce_sum3A_98 = arith.constant dense<0.000000e+00> : vector<400xf32>
    %reduce_sum3A_99 = vector.multi_reduction <add>, %add3A_84, %reduce_sum3A_98 [1] : vector<400x128xf32> to vector<400xf32>
    %broadcast_in_dim3A_100 = vector.shape_cast %reduce_sum3A_99 : vector<400xf32> to vector<400x1xf32>
    %div3A_101 = arith.constant 1.280000e+02 : f32
    %div3A_102 = vector.broadcast %div3A_101 : f32 to vector<400x1xf32>
    %div3A_103 = arith.divf %broadcast_in_dim3A_100, %div3A_102 : vector<400x1xf32>
    %sub3A_104 = vector.broadcast %div3A_103 : vector<400x1xf32> to vector<400x128xf32>
    %sub3A_105 = arith.subf %add3A_84, %sub3A_104 : vector<400x128xf32>
    %square3A_106 = arith.mulf %sub3A_105, %sub3A_105 : vector<400x128xf32>
    %convert_element_type3A_107 = arith.sitofp %jit3A_97 : i32 to f32
    %sub3A_108 = arith.constant 1.280000e+02 : f32
    %sub3A_109 = arith.subf %sub3A_108, %convert_element_type3A_107 : f32
    %reduce_sum3A_110 = arith.constant dense<0.000000e+00> : vector<400xf32>
    %reduce_sum3A_111 = vector.multi_reduction <add>, %square3A_106, %reduce_sum3A_110 [1] : vector<400x128xf32> to vector<400xf32>
    %broadcast_in_dim3A_112 = vector.shape_cast %reduce_sum3A_111 : vector<400xf32> to vector<400x1xf32>
    %div3A_113 = vector.broadcast %sub3A_109 : f32 to vector<400x1xf32>
    %div3A_114 = arith.divf %broadcast_in_dim3A_112, %div3A_113 : vector<400x1xf32>
    %gt3A_115 = arith.constant 0.000000e+00 : f32
    %gt3A_116 = arith.cmpf ogt, %sub3A_109, %gt3A_115 : f32
    %jit3A_117 = arith.constant 0x7FC00000 : f32
    %broadcast_in_dim3A_118 = vector.broadcast %jit3A_117 : f32 to vector<400x1xf32>
    %select_n3A_119 = arith.select %gt3A_116, %div3A_114, %broadcast_in_dim3A_118 : vector<400x1xf32>
    %sub3A_120 = vector.broadcast %div3A_96 : vector<400x1xf32> to vector<400x128xf32>
    %sub3A_121 = arith.subf %add3A_84, %sub3A_120 : vector<400x128xf32>
    %add3A_122 = arith.constant 9.99999974E-6 : f32
    %add3A_123 = vector.broadcast %add3A_122 : f32 to vector<400x1xf32>
    %add3A_124 = arith.addf %select_n3A_119, %add3A_123 : vector<400x1xf32>
    %sqrt3A_125 = math.sqrt %add3A_124 : vector<400x1xf32>
    %div3A_126 = vector.broadcast %sqrt3A_125 : vector<400x1xf32> to vector<400x128xf32>
    %div3A_127 = arith.divf %sub3A_121, %div3A_126 : vector<400x128xf32>
    %mul3A_128 = vector.broadcast %get3A_87 : vector<1x128xf32> to vector<400x128xf32>
    %mul3A_129 = arith.mulf %div3A_127, %mul3A_128 : vector<400x128xf32>
    %add3A_130 = vector.broadcast %get3A_90 : vector<1x128xf32> to vector<400x128xf32>
    %add3A_131 = arith.addf %mul3A_129, %add3A_130 : vector<400x128xf32>
    %max3A_132 = arith.constant 0.000000e+00 : f32
    %max3A_133 = vector.broadcast %max3A_132 : f32 to vector<400x128xf32>
    %max3A_134 = arith.maximumf %add3A_131, %max3A_133 : vector<400x128xf32>
    %get3A_135 = arith.constant 128 : index
    %get3A_136 = arith.constant 0 : index
    %get3A_137 = vector.load %arg10[%get3A_135, %get3A_136] : memref<512x128xf32, #tpu.memory_space<vmem>>, vector<128x128xf32>
    %dot_general3A_138 = arith.constant dense<0.000000e+00> : vector<400x128xf32>
    %dot_general3A_139 = tpu.matmul %max3A_134, %get3A_137, %dot_general3A_138 {dimension_numbers = #tpu.dot_dimension_numbers<[1], [0], [0], [1], [0, 0, 1, 1], [], []>, transpose_lhs_hint = false} : vector<400x128xf32>, vector<128x128xf32>, vector<400x128xf32> -> vector<400x128xf32>
    %add3A_140 = arith.addf %dot_general3A_72, %dot_general3A_139 : vector<400x128xf32>
    %get3A_141 = arith.constant 2 : index
    %get3A_142 = arith.constant 0 : index
    %get3A_143 = arith.constant 0 : index
    %get3A_144 = vector.load %arg6[%get3A_141, %get3A_142, %get3A_143] : memref<4x128x128xf32, #tpu.memory_space<vmem>>, vector<1x128x128xf32>
    %get3A_145 = vector.shape_cast %get3A_144 : vector<1x128x128xf32> to vector<128x128xf32>
    %dot_general3A_146 = arith.constant dense<0.000000e+00> : vector<400x128xf32>
    %dot_general3A_147 = tpu.matmul %mul3A_13, %get3A_145, %dot_general3A_146 {dimension_numbers = #tpu.dot_dimension_numbers<[1], [0], [0], [1], [0, 0, 1, 1], [], []>, transpose_lhs_hint = false} : vector<400x128xf32>, vector<128x128xf32>, vector<400x128xf32> -> vector<400x128xf32>
    %get3A_148 = arith.constant 2 : index
    %get3A_149 = arith.constant 0 : index
    %get3A_150 = vector.load %arg7[%get3A_148, %get3A_149] : memref<4x128xf32, #tpu.memory_space<vmem>>, vector<1x128xf32>
    %add3A_151 = vector.broadcast %get3A_150 : vector<1x128xf32> to vector<400x128xf32>
    %add3A_152 = arith.addf %dot_general3A_147, %add3A_151 : vector<400x128xf32>
    %get3A_153 = arith.constant 2 : index
    %get3A_154 = arith.constant 0 : index
    %get3A_155 = vector.load %arg8[%get3A_153, %get3A_154] : memref<4x128xf32, #tpu.memory_space<vmem>>, vector<1x128xf32>
    %get3A_156 = arith.constant 2 : index
    %get3A_157 = arith.constant 0 : index
    %get3A_158 = vector.load %arg9[%get3A_156, %get3A_157] : memref<4x128xf32, #tpu.memory_space<vmem>>, vector<1x128xf32>
    %reduce_sum3A_159 = arith.constant dense<0.000000e+00> : vector<400xf32>
    %reduce_sum3A_160 = vector.multi_reduction <add>, %add3A_152, %reduce_sum3A_159 [1] : vector<400x128xf32> to vector<400xf32>
    %broadcast_in_dim3A_161 = vector.shape_cast %reduce_sum3A_160 : vector<400xf32> to vector<400x1xf32>
    %div3A_162 = arith.constant 1.280000e+02 : f32
    %div3A_163 = vector.broadcast %div3A_162 : f32 to vector<400x1xf32>
    %div3A_164 = arith.divf %broadcast_in_dim3A_161, %div3A_163 : vector<400x1xf32>
    %jit3A_165 = arith.constant 0 : i32
    %reduce_sum3A_166 = arith.constant dense<0.000000e+00> : vector<400xf32>
    %reduce_sum3A_167 = vector.multi_reduction <add>, %add3A_152, %reduce_sum3A_166 [1] : vector<400x128xf32> to vector<400xf32>
    %broadcast_in_dim3A_168 = vector.shape_cast %reduce_sum3A_167 : vector<400xf32> to vector<400x1xf32>
    %div3A_169 = arith.constant 1.280000e+02 : f32
    %div3A_170 = vector.broadcast %div3A_169 : f32 to vector<400x1xf32>
    %div3A_171 = arith.divf %broadcast_in_dim3A_168, %div3A_170 : vector<400x1xf32>
    %sub3A_172 = vector.broadcast %div3A_171 : vector<400x1xf32> to vector<400x128xf32>
    %sub3A_173 = arith.subf %add3A_152, %sub3A_172 : vector<400x128xf32>
    %square3A_174 = arith.mulf %sub3A_173, %sub3A_173 : vector<400x128xf32>
    %convert_element_type3A_175 = arith.sitofp %jit3A_165 : i32 to f32
    %sub3A_176 = arith.constant 1.280000e+02 : f32
    %sub3A_177 = arith.subf %sub3A_176, %convert_element_type3A_175 : f32
    %reduce_sum3A_178 = arith.constant dense<0.000000e+00> : vector<400xf32>
    %reduce_sum3A_179 = vector.multi_reduction <add>, %square3A_174, %reduce_sum3A_178 [1] : vector<400x128xf32> to vector<400xf32>
    %broadcast_in_dim3A_180 = vector.shape_cast %reduce_sum3A_179 : vector<400xf32> to vector<400x1xf32>
    %div3A_181 = vector.broadcast %sub3A_177 : f32 to vector<400x1xf32>
    %div3A_182 = arith.divf %broadcast_in_dim3A_180, %div3A_181 : vector<400x1xf32>
    %gt3A_183 = arith.constant 0.000000e+00 : f32
    %gt3A_184 = arith.cmpf ogt, %sub3A_177, %gt3A_183 : f32
    %jit3A_185 = arith.constant 0x7FC00000 : f32
    %broadcast_in_dim3A_186 = vector.broadcast %jit3A_185 : f32 to vector<400x1xf32>
    %select_n3A_187 = arith.select %gt3A_184, %div3A_182, %broadcast_in_dim3A_186 : vector<400x1xf32>
    %sub3A_188 = vector.broadcast %div3A_164 : vector<400x1xf32> to vector<400x128xf32>
    %sub3A_189 = arith.subf %add3A_152, %sub3A_188 : vector<400x128xf32>
    %add3A_190 = arith.constant 9.99999974E-6 : f32
    %add3A_191 = vector.broadcast %add3A_190 : f32 to vector<400x1xf32>
    %add3A_192 = arith.addf %select_n3A_187, %add3A_191 : vector<400x1xf32>
    %sqrt3A_193 = math.sqrt %add3A_192 : vector<400x1xf32>
    %div3A_194 = vector.broadcast %sqrt3A_193 : vector<400x1xf32> to vector<400x128xf32>
    %div3A_195 = arith.divf %sub3A_189, %div3A_194 : vector<400x128xf32>
    %mul3A_196 = vector.broadcast %get3A_155 : vector<1x128xf32> to vector<400x128xf32>
    %mul3A_197 = arith.mulf %div3A_195, %mul3A_196 : vector<400x128xf32>
    %add3A_198 = vector.broadcast %get3A_158 : vector<1x128xf32> to vector<400x128xf32>
    %add3A_199 = arith.addf %mul3A_197, %add3A_198 : vector<400x128xf32>
    %max3A_200 = arith.constant 0.000000e+00 : f32
    %max3A_201 = vector.broadcast %max3A_200 : f32 to vector<400x128xf32>
    %max3A_202 = arith.maximumf %add3A_199, %max3A_201 : vector<400x128xf32>
    %get3A_203 = arith.constant 256 : index
    %get3A_204 = arith.constant 0 : index
    %get3A_205 = vector.load %arg10[%get3A_203, %get3A_204] : memref<512x128xf32, #tpu.memory_space<vmem>>, vector<128x128xf32>
    %dot_general3A_206 = arith.constant dense<0.000000e+00> : vector<400x128xf32>
    %dot_general3A_207 = tpu.matmul %max3A_202, %get3A_205, %dot_general3A_206 {dimension_numbers = #tpu.dot_dimension_numbers<[1], [0], [0], [1], [0, 0, 1, 1], [], []>, transpose_lhs_hint = false} : vector<400x128xf32>, vector<128x128xf32>, vector<400x128xf32> -> vector<400x128xf32>
    %add3A_208 = arith.addf %add3A_140, %dot_general3A_207 : vector<400x128xf32>
    %get3A_209 = arith.constant 3 : index
    %get3A_210 = arith.constant 0 : index
    %get3A_211 = arith.constant 0 : index
    %get3A_212 = vector.load %arg6[%get3A_209, %get3A_210, %get3A_211] : memref<4x128x128xf32, #tpu.memory_space<vmem>>, vector<1x128x128xf32>
    %get3A_213 = vector.shape_cast %get3A_212 : vector<1x128x128xf32> to vector<128x128xf32>
    %dot_general3A_214 = arith.constant dense<0.000000e+00> : vector<400x128xf32>
    %dot_general3A_215 = tpu.matmul %mul3A_18, %get3A_213, %dot_general3A_214 {dimension_numbers = #tpu.dot_dimension_numbers<[1], [0], [0], [1], [0, 0, 1, 1], [], []>, transpose_lhs_hint = false} : vector<400x128xf32>, vector<128x128xf32>, vector<400x128xf32> -> vector<400x128xf32>
    %get3A_216 = arith.constant 3 : index
    %get3A_217 = arith.constant 0 : index
    %get3A_218 = vector.load %arg7[%get3A_216, %get3A_217] : memref<4x128xf32, #tpu.memory_space<vmem>>, vector<1x128xf32>
    %add3A_219 = vector.broadcast %get3A_218 : vector<1x128xf32> to vector<400x128xf32>
    %add3A_220 = arith.addf %dot_general3A_215, %add3A_219 : vector<400x128xf32>
    %get3A_221 = arith.constant 3 : index
    %get3A_222 = arith.constant 0 : index
    %get3A_223 = vector.load %arg8[%get3A_221, %get3A_222] : memref<4x128xf32, #tpu.memory_space<vmem>>, vector<1x128xf32>
    %get3A_224 = arith.constant 3 : index
    %get3A_225 = arith.constant 0 : index
    %get3A_226 = vector.load %arg9[%get3A_224, %get3A_225] : memref<4x128xf32, #tpu.memory_space<vmem>>, vector<1x128xf32>
    %reduce_sum3A_227 = arith.constant dense<0.000000e+00> : vector<400xf32>
    %reduce_sum3A_228 = vector.multi_reduction <add>, %add3A_220, %reduce_sum3A_227 [1] : vector<400x128xf32> to vector<400xf32>
    %broadcast_in_dim3A_229 = vector.shape_cast %reduce_sum3A_228 : vector<400xf32> to vector<400x1xf32>
    %div3A_230 = arith.constant 1.280000e+02 : f32
    %div3A_231 = vector.broadcast %div3A_230 : f32 to vector<400x1xf32>
    %div3A_232 = arith.divf %broadcast_in_dim3A_229, %div3A_231 : vector<400x1xf32>
    %jit3A_233 = arith.constant 0 : i32
    %reduce_sum3A_234 = arith.constant dense<0.000000e+00> : vector<400xf32>
    %reduce_sum3A_235 = vector.multi_reduction <add>, %add3A_220, %reduce_sum3A_234 [1] : vector<400x128xf32> to vector<400xf32>
    %broadcast_in_dim3A_236 = vector.shape_cast %reduce_sum3A_235 : vector<400xf32> to vector<400x1xf32>
    %div3A_237 = arith.constant 1.280000e+02 : f32
    %div3A_238 = vector.broadcast %div3A_237 : f32 to vector<400x1xf32>
    %div3A_239 = arith.divf %broadcast_in_dim3A_236, %div3A_238 : vector<400x1xf32>
    %sub3A_240 = vector.broadcast %div3A_239 : vector<400x1xf32> to vector<400x128xf32>
    %sub3A_241 = arith.subf %add3A_220, %sub3A_240 : vector<400x128xf32>
    %square3A_242 = arith.mulf %sub3A_241, %sub3A_241 : vector<400x128xf32>
    %convert_element_type3A_243 = arith.sitofp %jit3A_233 : i32 to f32
    %sub3A_244 = arith.constant 1.280000e+02 : f32
    %sub3A_245 = arith.subf %sub3A_244, %convert_element_type3A_243 : f32
    %reduce_sum3A_246 = arith.constant dense<0.000000e+00> : vector<400xf32>
    %reduce_sum3A_247 = vector.multi_reduction <add>, %square3A_242, %reduce_sum3A_246 [1] : vector<400x128xf32> to vector<400xf32>
    %broadcast_in_dim3A_248 = vector.shape_cast %reduce_sum3A_247 : vector<400xf32> to vector<400x1xf32>
    %div3A_249 = vector.broadcast %sub3A_245 : f32 to vector<400x1xf32>
    %div3A_250 = arith.divf %broadcast_in_dim3A_248, %div3A_249 : vector<400x1xf32>
    %gt3A_251 = arith.constant 0.000000e+00 : f32
    %gt3A_252 = arith.cmpf ogt, %sub3A_245, %gt3A_251 : f32
    %jit3A_253 = arith.constant 0x7FC00000 : f32
    %broadcast_in_dim3A_254 = vector.broadcast %jit3A_253 : f32 to vector<400x1xf32>
    %select_n3A_255 = arith.select %gt3A_252, %div3A_250, %broadcast_in_dim3A_254 : vector<400x1xf32>
    %sub3A_256 = vector.broadcast %div3A_232 : vector<400x1xf32> to vector<400x128xf32>
    %sub3A_257 = arith.subf %add3A_220, %sub3A_256 : vector<400x128xf32>
    %add3A_258 = arith.constant 9.99999974E-6 : f32
    %add3A_259 = vector.broadcast %add3A_258 : f32 to vector<400x1xf32>
    %add3A_260 = arith.addf %select_n3A_255, %add3A_259 : vector<400x1xf32>
    %sqrt3A_261 = math.sqrt %add3A_260 : vector<400x1xf32>
    %div3A_262 = vector.broadcast %sqrt3A_261 : vector<400x1xf32> to vector<400x128xf32>
    %div3A_263 = arith.divf %sub3A_257, %div3A_262 : vector<400x128xf32>
    %mul3A_264 = vector.broadcast %get3A_223 : vector<1x128xf32> to vector<400x128xf32>
    %mul3A_265 = arith.mulf %div3A_263, %mul3A_264 : vector<400x128xf32>
    %add3A_266 = vector.broadcast %get3A_226 : vector<1x128xf32> to vector<400x128xf32>
    %add3A_267 = arith.addf %mul3A_265, %add3A_266 : vector<400x128xf32>
    %max3A_268 = arith.constant 0.000000e+00 : f32
    %max3A_269 = vector.broadcast %max3A_268 : f32 to vector<400x128xf32>
    %max3A_270 = arith.maximumf %add3A_267, %max3A_269 : vector<400x128xf32>
    %get3A_271 = arith.constant 384 : index
    %get3A_272 = arith.constant 0 : index
    %get3A_273 = vector.load %arg10[%get3A_271, %get3A_272] : memref<512x128xf32, #tpu.memory_space<vmem>>, vector<128x128xf32>
    %dot_general3A_274 = arith.constant dense<0.000000e+00> : vector<400x128xf32>
    %dot_general3A_275 = tpu.matmul %max3A_270, %get3A_273, %dot_general3A_274 {dimension_numbers = #tpu.dot_dimension_numbers<[1], [0], [0], [1], [0, 0, 1, 1], [], []>, transpose_lhs_hint = false} : vector<400x128xf32>, vector<128x128xf32>, vector<400x128xf32> -> vector<400x128xf32>
    %add3A_276 = arith.addf %add3A_208, %dot_general3A_275 : vector<400x128xf32>
    %get3A_277 = arith.constant 0 : index
    %get3A_278 = arith.constant 0 : index
    %get3A_279 = vector.load %arg11[%get3A_277, %get3A_278] : memref<1x128xf32, #tpu.memory_space<vmem>>, vector<1x128xf32>
    %add3A_280 = vector.broadcast %get3A_279 : vector<1x128xf32> to vector<400x128xf32>
    %add3A_281 = arith.addf %add3A_276, %add3A_280 : vector<400x128xf32>
    %get3A_282 = arith.constant 0 : index
    %get3A_283 = arith.constant 0 : index
    %get3A_284 = vector.load %arg12[%get3A_282, %get3A_283] : memref<1x128xf32, #tpu.memory_space<vmem>>, vector<1x128xf32>
    %get3A_285 = arith.constant 0 : index
    %get3A_286 = arith.constant 0 : index
    %get3A_287 = vector.load %arg13[%get3A_285, %get3A_286] : memref<1x128xf32, #tpu.memory_space<vmem>>, vector<1x128xf32>
    %reduce_sum3A_288 = arith.constant dense<0.000000e+00> : vector<400xf32>
    %reduce_sum3A_289 = vector.multi_reduction <add>, %add3A_281, %reduce_sum3A_288 [1] : vector<400x128xf32> to vector<400xf32>
    %broadcast_in_dim3A_290 = vector.shape_cast %reduce_sum3A_289 : vector<400xf32> to vector<400x1xf32>
    %div3A_291 = arith.constant 1.280000e+02 : f32
    %div3A_292 = vector.broadcast %div3A_291 : f32 to vector<400x1xf32>
    %div3A_293 = arith.divf %broadcast_in_dim3A_290, %div3A_292 : vector<400x1xf32>
    %jit3A_294 = arith.constant 0 : i32
    %reduce_sum3A_295 = arith.constant dense<0.000000e+00> : vector<400xf32>
    %reduce_sum3A_296 = vector.multi_reduction <add>, %add3A_281, %reduce_sum3A_295 [1] : vector<400x128xf32> to vector<400xf32>
    %broadcast_in_dim3A_297 = vector.shape_cast %reduce_sum3A_296 : vector<400xf32> to vector<400x1xf32>
    %div3A_298 = arith.constant 1.280000e+02 : f32
    %div3A_299 = vector.broadcast %div3A_298 : f32 to vector<400x1xf32>
    %div3A_300 = arith.divf %broadcast_in_dim3A_297, %div3A_299 : vector<400x1xf32>
    %sub3A_301 = vector.broadcast %div3A_300 : vector<400x1xf32> to vector<400x128xf32>
    %sub3A_302 = arith.subf %add3A_281, %sub3A_301 : vector<400x128xf32>
    %square3A_303 = arith.mulf %sub3A_302, %sub3A_302 : vector<400x128xf32>
    %convert_element_type3A_304 = arith.sitofp %jit3A_294 : i32 to f32
    %sub3A_305 = arith.constant 1.280000e+02 : f32
    %sub3A_306 = arith.subf %sub3A_305, %convert_element_type3A_304 : f32
    %reduce_sum3A_307 = arith.constant dense<0.000000e+00> : vector<400xf32>
    %reduce_sum3A_308 = vector.multi_reduction <add>, %square3A_303, %reduce_sum3A_307 [1] : vector<400x128xf32> to vector<400xf32>
    %broadcast_in_dim3A_309 = vector.shape_cast %reduce_sum3A_308 : vector<400xf32> to vector<400x1xf32>
    %div3A_310 = vector.broadcast %sub3A_306 : f32 to vector<400x1xf32>
    %div3A_311 = arith.divf %broadcast_in_dim3A_309, %div3A_310 : vector<400x1xf32>
    %gt3A_312 = arith.constant 0.000000e+00 : f32
    %gt3A_313 = arith.cmpf ogt, %sub3A_306, %gt3A_312 : f32
    %jit3A_314 = arith.constant 0x7FC00000 : f32
    %broadcast_in_dim3A_315 = vector.broadcast %jit3A_314 : f32 to vector<400x1xf32>
    %select_n3A_316 = arith.select %gt3A_313, %div3A_311, %broadcast_in_dim3A_315 : vector<400x1xf32>
    %sub3A_317 = vector.broadcast %div3A_293 : vector<400x1xf32> to vector<400x128xf32>
    %sub3A_318 = arith.subf %add3A_281, %sub3A_317 : vector<400x128xf32>
    %add3A_319 = arith.constant 9.99999974E-6 : f32
    %add3A_320 = vector.broadcast %add3A_319 : f32 to vector<400x1xf32>
    %add3A_321 = arith.addf %select_n3A_316, %add3A_320 : vector<400x1xf32>
    %sqrt3A_322 = math.sqrt %add3A_321 : vector<400x1xf32>
    %div3A_323 = vector.broadcast %sqrt3A_322 : vector<400x1xf32> to vector<400x128xf32>
    %div3A_324 = arith.divf %sub3A_318, %div3A_323 : vector<400x128xf32>
    %mul3A_325 = vector.broadcast %get3A_284 : vector<1x128xf32> to vector<400x128xf32>
    %mul3A_326 = arith.mulf %div3A_324, %mul3A_325 : vector<400x128xf32>
    %add3A_327 = vector.broadcast %get3A_287 : vector<1x128xf32> to vector<400x128xf32>
    %add3A_328 = arith.addf %mul3A_326, %add3A_327 : vector<400x128xf32>
    %max3A_329 = arith.constant 0.000000e+00 : f32
    %max3A_330 = vector.broadcast %max3A_329 : f32 to vector<400x128xf32>
    %max3A_331 = arith.maximumf %add3A_328, %max3A_330 : vector<400x128xf32>
    %swap3A = arith.constant 0 : index
    %swap3A_332 = arith.constant 0 : index
    %swap3A_333 = vector.load %arg14[%swap3A, %swap3A_332] : memref<400x128xf32, #tpu.memory_space<vmem>>, vector<400x128xf32>
    tpu.vector_store %arg14[%swap3A, %swap3A_332], %max3A_331 {strides = array<i32>} : memref<400x128xf32, #tpu.memory_space<vmem>>, vector<400x128xf32>,
    return
  }
  func.func @transform_0(%arg0: i32) -> (i32, i32) {
    %c0_i32 = arith.constant 0 : i32
    %c0_i32_0 = arith.constant 0 : i32
    return %arg0, %c0_i32 : i32, i32
  }
  func.func @transform_1(%arg0: i32) -> (i32, i32) {
    %c0_i32 = arith.constant 0 : i32
    %c0_i32_0 = arith.constant 0 : i32
    return %arg0, %c0_i32 : i32, i32
  }
  func.func @transform_2(%arg0: i32) -> (i32, i32) {
    %c0_i32 = arith.constant 0 : i32
    %c0_i32_0 = arith.constant 0 : i32
    return %arg0, %c0_i32 : i32, i32
  }
  func.func @transform_3(%arg0: i32) -> (i32, i32) {
    %c0_i32 = arith.constant 0 : i32
    %c0_i32_0 = arith.constant 0 : i32
    return %arg0, %c0_i32 : i32, i32
  }
  func.func @transform_4(%arg0: i32) -> (i32, i32) {
    %c0_i32 = arith.constant 0 : i32
    %c0_i32_0 = arith.constant 0 : i32
    return %arg0, %c0_i32 : i32, i32
  }
  func.func @transform_5(%arg0: i32) -> (i32, i32, i32) {
    %c0_i32 = arith.constant 0 : i32
    %c0_i32_0 = arith.constant 0 : i32
    %c0_i32_1 = arith.constant 0 : i32
    %c0_i32_2 = arith.constant 0 : i32
    return %c0_i32, %c0_i32_0, %c0_i32_1 : i32, i32, i32
  }
  func.func @transform_6(%arg0: i32) -> (i32, i32) {
    %c0_i32 = arith.constant 0 : i32
    %c0_i32_0 = arith.constant 0 : i32
    %c0_i32_1 = arith.constant 0 : i32
    return %c0_i32, %c0_i32_0 : i32, i32
  }
  func.func @transform_7(%arg0: i32) -> (i32, i32) {
    %c0_i32 = arith.constant 0 : i32
    %c0_i32_0 = arith.constant 0 : i32
    %c0_i32_1 = arith.constant 0 : i32
    return %c0_i32, %c0_i32_0 : i32, i32
  }
  func.func @transform_8(%arg0: i32) -> (i32, i32) {
    %c0_i32 = arith.constant 0 : i32
    %c0_i32_0 = arith.constant 0 : i32
    %c0_i32_1 = arith.constant 0 : i32
    return %c0_i32, %c0_i32_0 : i32, i32
  }
  func.func @transform_9(%arg0: i32) -> (i32, i32) {
    %c0_i32 = arith.constant 0 : i32
    %c0_i32_0 = arith.constant 0 : i32
    %c0_i32_1 = arith.constant 0 : i32
    return %c0_i32, %c0_i32_0 : i32, i32
  }
  func.func @transform_10(%arg0: i32) -> (i32, i32) {
    %c0_i32 = arith.constant 0 : i32
    %c0_i32_0 = arith.constant 0 : i32
    %c0_i32_1 = arith.constant 0 : i32
    return %c0_i32, %c0_i32_0 : i32, i32
  }
  func.func @transform_11(%arg0: i32) -> (i32, i32) {
    %c0_i32 = arith.constant 0 : i32
    %c0_i32_0 = arith.constant 0 : i32
    %c0_i32_1 = arith.constant 0 : i32
    return %c0_i32, %c0_i32_0 : i32, i32
  }
  func.func @transform_12(%arg0: i32) -> (i32, i32) {
    %c0_i32 = arith.constant 0 : i32
    %c0_i32_0 = arith.constant 0 : i32
    %c0_i32_1 = arith.constant 0 : i32
    return %c0_i32, %c0_i32_0 : i32, i32
  }
  func.func @transform_13(%arg0: i32) -> (i32, i32) {
    %c0_i32 = arith.constant 0 : i32
    %c0_i32_0 = arith.constant 0 : i32
    return %arg0, %c0_i32 : i32, i32
  }
}

</mosaic_0001>

<sc_bundles>
// kernel: kernel.11.cloned.1.call-start
scs
__scs_entry_jumppad:
0x0: {  	(pc) =	sbr.rel $0x88, $3  }
0x1: {  	(tag) =	ssettag $0x0;
	lr =	simm.s32 $0x1  }
0x2: {  	[smem:$0x3F97] =	sst lr;
	_ =	strace $0xD0000000  }
0x3: {  	_ = 	snop  }
0x4: {  	_ = 	snop  }
0x5: {  	_ = 	snop  }
0x6: {  	_ = 	snop  }
0x7: {  	_ = 	snop  }
__scs_overlays_trampoline_lowered:
0x8: {  	[smem:$0x3FA6] =	sst s0  }
0x9: {  	[smem:$0x3FA7] =	sst s1  }
0xa: {  	[smem:$0x3FA8] =	sst s2  }
0xb: {  	[smem:$0x3FA9] =	sst s3  }
0xc: {  	[smem:$0x3FAA] =	sst s4  }
0xd: {  	[smem:$0x3FAB] =	sst s5  }
0xe: {  	[smem:$0x3FAC] =	sst s6  }
0xf: {  	[smem:$0x3FAD] =	sst s7  }
0x10: {  	[smem:$0x3FAE] =	sst s8  }
0x11: {  	[smem:$0x3FAF] =	sst s9;
	s0 =	simm.s32 @!p0 $0x0  }
0x12: {  	s1 =	sld [smem:$0x3F95];
	s0 =	simm.s32 @p0 $0x1  }
0x13: {  	[smem:$0x3FB0] =	sst s0;
	s0 =	simm.s32 @!p1 $0x0  }
0x14: {  	s2 =	sld [smem:$0x3F94];
	s0 =	simm.s32 @p1 $0x1  }
0x15: {  	[smem:$0x3FB1] =	sst s0;
	s0 =	simm.s32 @!p2 $0x0  }
0x16: {  	s3 =	sld [smem:$0x3FDB];
	s0 =	simm.s32 @p2 $0x1  }
0x17: {  	s4 =	simm.s32 $0x1BF5;
	[smem:$0x3FB3] =	sst s0  }
0x18: {  	s0 =	sld [smem:$0x3F96];
	_ =	swait.ge [sflag:s4], $0x0  }
0x19: {  	s7 =	sld [smem:$0x3F97]  }
0x1a: {  	s8 =	sadd.s32 $0xFFFFE003, lr  }
0x1b: {  	s9 =	sadd.s32 $0xFFFFFEF7, lr;
	s5 =	simm.s32 $0xFFFFFFFF;
	p2 =	slt.u32 s8, $0xFFFFF086  }
0x1c: {  	p1 =	slt.u32 s9, $0xF7A;
	s5 =	simm.s32 @!p2 $0x0  }
0x1d: {  	s5 =	simm.s32 @p1 $0x1;
	p0 =	seq.s32 s7, s2  }
0x1e: {  	s7 =	smul.u32 @!p0 $0xF7A, s2;
	p2 =	seq.s32 @!p0 s5, $0x0  }
0x1f: {  	s9 =	smul.u32 $0xF7A, s1;
	s8 =	simm.s32 @!p0 $0x1BF5;
	p2 =	por !p2, p0  }
0x20: {  	[sflag:s8] =	ssyncset.s32 @!p0 $0xFFFFF086;
	s6 =	sadd.s32 @!p0 s3, s7;
	s7 =	simm.s32 @!p0 $0x108  }
0x21: {  	s3 =	sadd.s32 s3, s9;
	s6 =	sadd.s32 @!p0 $0x88, s6;
	s7 =	simm.s32 @p2 $0x1082  }
0x22: {  	[simem:s7], [sflag:s8] =	dma.local @!p0 [hbm:s6], $0xF7A  }
0x23: {  	s9 =	sor.u32 $0xD0000000, s2;
	s6 =	simm.s32 $0x108;
	_ =	swait.ge @!p0 [sflag:s8], $0x0  }
0x24: {  	s3 =	sadd.s32 $0x88, s3;
	s6 =	simm.s32 @!p1 $0x1082;
	[sflag:s4] =	ssyncset.s32 $0xFFFFF086  }
0x25: {  	[simem:s6], [sflag:s4] =	dma.local [hbm:s3], $0xF7A  }
0x26: {  	[smem:$0x3F97] =	sst s1;
	(tag) =	ssettag s2;
	_ =	strace s9  }
0x27: {  	s1 =	sld [smem:$0x3FA7]  }
0x28: {  	s2 =	sld [smem:$0x3FA8]  }
0x29: {  	s4 =	sld [smem:$0x3FAA]  }
0x2a: {  	p0 =	seq.s32 s5, $0x0;
	s5 =	sld [smem:$0x3FAB]  }
0x2b: {  	s6 =	sld [smem:$0x3FAC]  }
0x2c: {  	s7 =	sld [smem:$0x3FAD]  }
0x2d: {  	s3 =	simm.s32 $0x108;
	s8 =	sld [smem:$0x3FAE]  }
0x2e: {  	s3 =	simm.s32 @!p0 $0x1082;
	s9 =	sld [smem:$0x3FAF]  }
0x2f: {  	lr =	sadd.s32 s0, s3;
	s0 =	sld [smem:$0x3FA6]  }
0x30: {  	s3 =	sld [smem:$0x3FA9]  }
0x31: {  	[smem:$0x3FB2] =	sst s10  }
0x32: {  	s10 =	sld [smem:$0x3FB0];
	_ =	sdelay $0x3  }
0x33: {  	p0 =	seq.s32 s10, $0x1;
	s10 =	sld [smem:$0x3FB2];
	_ =	sdelay $0x3  }
0x34: {  	[smem:$0x3FB2] =	sst s10  }
0x35: {  	s10 =	sld [smem:$0x3FB1];
	_ =	sdelay $0x3  }
0x36: {  	p1 =	seq.s32 s10, $0x1;
	s10 =	sld [smem:$0x3FB2];
	_ =	sdelay $0x3  }
0x37: {  	[smem:$0x3FB2] =	sst s10  }
0x38: {  	s10 =	sld [smem:$0x3FB3]  }
0x39: {  	_ = 	snop;
	(pc) =	sbr.ind lr, $3  }
0x3a: {  	_ = 	snop  }
0x3b: {  	_ = 	snop  }
0x3c: {  	p2 =	seq.s32 s10, $0x1;
	s10 =	sld [smem:$0x3FB2]  }
0x3d: {  	_ =	shalt  }
0x3e: {  	_ =	shalt  }
0x3f: {  	_ =	shalt  }
0x40: {  	_ =	shalt  }
0x41: {  	_ =	shalt  }
0x42: {  	_ =	shalt  }
0x43: {  	_ =	shalt  }
0x44: {  	_ =	shalt  }
0x45: {  	_ =	shalt  }
0x46: {  	_ =	shalt  }
0x47: {  	_ =	shalt  }
0x48: {  	_ =	shalt  }
0x49: {  	_ =	shalt  }
0x4a: {  	_ =	shalt  }
0x4b: {  	_ =	shalt  }
0x4c: {  	_ =	shalt  }
0x4d: {  	_ =	shalt  }
0x4e: {  	_ =	shalt  }
0x4f: {  	_ =	shalt  }
0x50: {  	_ =	shalt  }
0x51: {  	_ =	shalt  }
0x52: {  	_ =	shalt  }
0x53: {  	_ =	shalt  }
0x54: {  	_ =	shalt  }
0x55: {  	_ =	shalt  }
0x56: {  	_ =	shalt  }
0x57: {  	_ =	shalt  }
0x58: {  	_ =	shalt  }
0x59: {  	_ =	shalt  }
0x5a: {  	_ =	shalt  }
0x5b: {  	_ =	shalt  }
0x5c: {  	_ =	shalt  }
0x5d: {  	_ =	shalt  }
0x5e: {  	_ =	shalt  }
0x5f: {  	_ =	shalt  }
0x60: {  	_ =	shalt  }
0x61: {  	_ =	shalt  }
0x62: {  	_ =	shalt  }
0x63: {  	_ =	shalt  }
0x64: {  	_ =	shalt  }
0x65: {  	_ =	shalt  }
0x66: {  	_ =	shalt  }
0x67: {  	_ =	shalt  }
0x68: {  	_ =	shalt  }
0x69: {  	_ =	shalt  }
0x6a: {  	_ =	shalt  }
0x6b: {  	_ =	shalt  }
0x6c: {  	_ =	shalt  }
0x6d: {  	_ =	shalt  }
0x6e: {  	_ =	shalt  }
0x6f: {  	_ =	shalt  }
0x70: {  	_ =	shalt  }
0x71: {  	_ =	shalt  }
0x72: {  	_ =	shalt  }
0x73: {  	_ =	shalt  }
0x74: {  	_ =	shalt  }
0x75: {  	_ =	shalt  }
0x76: {  	_ =	shalt  }
0x77: {  	_ =	shalt  }
0x78: {  	_ =	shalt  }
0x79: {  	_ =	shalt  }
0x7a: {  	_ =	shalt  }
0x7b: {  	_ =	shalt  }
0x7c: {  	_ =	shalt  }
0x7d: {  	_ =	shalt  }
0x7e: {  	_ =	shalt  }
0x7f: {  	_ =	shalt  }
0x80: {  	_ =	shalt  }
0x81: {  	_ =	shalt  }
0x82: {  	_ =	shalt  }
0x83: {  	_ =	shalt  }
0x84: {  	_ =	shalt  }
0x85: {  	_ =	shalt  }
0x86: {  	_ =	shalt  }
0x87: {  	_ =	shalt  }
.Lfunc_end0:
.L_simem_size_0:
called_computation_lowered:
.L_overlay_start_0:
0x88: {  	s2 =	sld [smem:$0x3FD9]  }
0x89: {  	s3 =	sld [smem:$0x3FFE];
	_ =	sdelay $0x1  }
0x8a: {  	s1 =	srdreg.scid  }
0x8b: {  	s0 =	sand.u32 $0x1, s1  }
0x8c: {  	s17 =	sshll.u32 s0, $0xA;
	s2 =	sadd.s32 s3, s2  }
0x8d: {  	s2 =	sadd.s32 s2, s17  }
0x8e: {  	[smem:$0x3FBE] =	sst s2  }
0x8f: {  	_ = 	snop  }
0x90: {  	s2 =	sld [smem:$0x3FD0];
	(tm) =	ssettm $0x1  }
0x91: {  	s18 =	sld [smem:$0x3FFB];
	_ =	sdelay $0x3  }
0x92: {  	_ =	strace s18  }
0x93: {  	s3 =	sld [smem:$0x3FFC];
	_ =	sdelay $0x3  }
0x94: {  	_ =	strace s3  }
0x95: {  	s3 =	sld [smem:$0x3FFD];
	_ =	sdelay $0x3  }
0x96: {  	_ =	strace s3  }
0x97: {  	_ =	strace $0x8FFFFFFF  }
0x98: {  	s19 =	sld [smem:$0x3FDB];
	_ =	sdelay $0x1  }
0x99: {  	s4 =	simm.s32 $_scs_section_size  }
0x9a: {  	s5 =	simm.s32 $_size__tile_overlayer_lowered;
	s6 =	simm.s32 $_tile_overlayer_lowered  }
0x9b: {  	s22 =	simm.s32 $0x1BFF;
	s21 =	sshll.u32 s6, $0x1;
	s3 =	sadd.s32 s4, s19  }
0x9c: {  	s7 =	simm.s32 $0x0;
	s20 =	sshll.u32 s5, $0x1;
	s5 =	sadd.s32 s21, s3  }
0x9d: {  	[timem:s7], [sflag:s22] =	dma.local [hbm:s5], s20  }
0x9e: {  	_ =	swait.ge [sflag:s22], s20  }
0x9f: {  	s4 =	ssub.s32 $0x0, s20;
	[sflag:s22] =	ssyncset.done $0x0  }
0xa0: {  	[sflag:s22] =	ssyncadd.s32 s4;
	_ =	sdelay $0x1  }
0xa1: {  	s23 =	simm.s32 $0x1B8B  }
0xa2: {  	_ =	swait.ge [sflag:s23], $0x1  }
0xa3: {  	[sflag:s23] =	ssyncset.done $0x0  }
0xa4: {  	s25 =	simm.s32 $0x1B8E;
	s24 =	sld [smem:$0x3FFE];
	[sflag:s23] =	ssyncadd.s32 $0xFFFFFFFF  }
0xa5: {  	s26 =	simm.s32 $execute0_lowered;
	[smem:$0x3FD2] =	sst s25  }
0xa6: {  	s5 =	sshll.u32 s26, $0x1;
	_ =	strace $0x80000046;
	[dreg:$0x1] =	wrdreg $0xFFFFFFFF  }
0xa7: {  	s28 =	simm.s32 $_size_execute0_lowered;
	s3 =	sadd.s32 s3, s5;
	[dreg:$0x0] =	wrdreg $0x0  }
0xa8: {  	s5 =	sshll.u32 s28, $0x1;
	[dreg:$0x2] =	wrdreg s3  }
0xa9: {  	[dreg:$0x3] =	wrdreg s5  }
0xaa: {  	[dreg:$0x4] =	wrdreg $0xC0  }
0xab: {  	_ =	task [dreg:s7], $0x5FFFF  }
0xac: {  	[dreg:$0x1] =	wrdreg $0xFFFFFFFF  }
0xad: {  	[dreg:$0x0] =	wrdreg $0x60  }
0xae: {  	[dreg:$0x2] =	wrdreg s24  }
0xaf: {  	[dreg:$0x3] =	wrdreg s2  }
0xb0: {  	[dreg:$0x4] =	wrdreg $0x0  }
0xb1: {  	[dreg:$0x5] =	wrdreg $0x9  }
0xb2: {  	_ =	task.clear_ibuf [dreg:s7], $0x6FFFF;
	_ =	strace $0x90000046  }
0xb3: {  	s29 =	simm.s32 $0x9;
	_ =	strace $0x80000048  }
0xb4: {  	_ =	swait.ge [sflag:s29], $0x1  }
0xb5: {  	[sflag:s29] =	ssyncadd.s32 $0xFFFFFFFF  }
0xb6: {  	_ =	strace $0x90000048  }
0xb7: {  	_ =	sfence  }
0xb8: {  	s30 =	sld [smem:$0x0];
	_ =	sdelay $0x2  }
0xb9: {  	s31 =	sshll.u32 s1, $0xD;
	s1 =	sshrl.u32 s1, $0x2  }
0xba: {  	s3 =	sand.u32 $0x4000, s31;
	s1 =	sadd.s32 s1, s30  }
0xbb: {  	s0 =	sor.u32 s3, s0;
	s1 =	sshll.u32 s1, $0x11  }
0xbc: {  	s0 =	sor.u32 s1, s0  }
0xbd: {  	s0 =	sadd.s32 $0x8F2B, s0  }
0xbe: {  	[sflag:s0] =	ssyncadd.remote.s32 $0x1  }
0xbf: {  	_ =	sfence.sel $0xFFFF  }
0xc0: {  	[dreg:$0x0] =	wrdreg $0xFFFFFFFF;
	(pc) =	sbr.abs _section_cstart, $3  }
0xc1: {  	[dreg:$0x1] =	wrdreg $0xFFFFFFFF  }
0xc2: {  	_ =	task.clear_ibuf [dreg:s7], $0x2FFFF;
	_ =	strace $0x9FFFFFFF  }
0xc3: {  	(tm) =	ssettm $0x7FFFFFFF  }
tec
execute0_lowered:
.L_overlay_start_1:
0x0: {  	(tag) =	ssettag $0x1  }
0x1: {  	s5 =	rddreg [dreg:$0x0]  }
0x2: {  	s0 =	srdreg.scid;
	s2 =	rddreg [dreg:$0x1]  }
0x3: {  	s3 =	rddreg [dreg:$0x2];
	s6 =	sand.u32 $0x1, s0  }
0x4: {  	s0 =	stileid.u32;
	s7 =	smul.u32 $0x27800, s6  }
0x5: {  	s1 =	rddreg [dreg:$0x3];
	s4 =	simm.s32 $0x0;
	s8 =	smul.u32 $0x2780, s0  }
0x6: {  	s13 =	simm.s32 $0x13C00;
	s14 =	simm.s32 $0x80;
	s9 =	smul.u32 $0x13C00, s0  }
0x7: {  	s15 =	simm.s32 $0x0;
	[smem:$0x7FF] =	sst s4;
	s25 =	smul.u32 $0x13C000, s6  }
0x8: {  	_ =	strace $0x80000047;
	s6 =	ssub.s32 $0x2, s6;
	s28 =	smul.u32 $0x4F000, s0  }
0x9: {  	s31 =	sshll.u32 s0, $0x6;
	s29 =	sshrl.u32 s6, $0x1;
	s7 =	sadd.s32 s8, s7  }
0xa: {  	s26 =	sshrl.u32 s9, $0x3;
	s8 =	sadd.s32 s9, s25;
	s11 =	ssub.s32 s6, s29  }
0xb: {  	s30 =	sshrl.u32 s28, $0x2;
	s6 =	sor.u32 $0x1C01, s31;
	s7 =	sshrl.u32 s7, $0x3  }
0xc: {  	s8 =	sshrl.u32 s8, $0x3;
	s10 =	sadd.s32 s7, s5;
	s7 =	sadd.s32 s26, s5  }
0xd: {  	s12 =	sadd.s32 s30, s3;
	s8 =	sadd.s32 s8, s5;
	s5 =	sadd.s32 $0xE200, s7  }
0xe: {  	s7 =	sadd.s32 $0x35A00, s8;
	s8 =	smax.u32 s11, $0x1;
	s9 =	sadd.s32 $0x4400, s10  }
0xf: {  	s10 =	sshrl.u32 s12, $0x3;
	s11 =	simm.s32 $0x1;
	s12 =	simm.s32 $0x13C80  }
.LBB2_1:
0x10: {  	[spmem:s10], [sflag:s6] =	dma.local [hbm:s5], $0x2780  }
0x11: {  	_ =	swait.ge [sflag:s11], $0x2780  }
0x12: {  	[sflag:s11] =	ssyncset.done $0x0  }
0x13: {  	[sflag:s11] =	ssyncadd.s32 $0xFFFFD880  }
0x14: {  	[tilespmem:s12], [sflag:$0x1] =	stream.linear.gather [hbm4b:s2+s4], $0x4000, $0x38;
	[tilespmem:$0x17C80] =	vst v63  }
0x15: {  	_ =	swait.ge [sflag:s11], $0x4000  }
0x16: {  	[sflag:s11] =	ssyncset.done $0x0  }
0x17: {  	[sflag:s11] =	ssyncadd.s32 $0xFFFFC000  }
0x18: {  	s16 =	sadd.s32 $0x0, s9;
	[bflag:$0x0] =	sbarrier.arrive $0xFFFF  }
0x19: {  	[tilespmem:s13], [sflag:$0x1] =	stream.linear.gather [hbm4b:s16+s4], $0x80, $0x38;
	[tilespmem:$0x17C80] =	vst v63  }
0x1a: {  	_ =	swait.ge [sflag:s11], $0x80  }
0x1b: {  	[sflag:s11] =	ssyncset.done $0x0  }
0x1c: {  	[sflag:s11] =	ssyncadd.s32 $0xFFFFFF80  }
0x1d: {  	[spmem:s3] =	stream.indirect.scatter.add.f32 [tilespmem:s12], [sflag:$0x1], $0x80, s13, s14, $0xb8;
	[tilespmem:$0x17C80] =	vst v63  }
0x1e: {  	_ =	swait.ge [sflag:s11], $0x4000  }
0x1f: {  	s17 =	simm.s32 $0x20;
	s16 =	simm.s32 $0x10;
	[sflag:s11] =	ssyncset.done $0x0  }
.LBB2_2:
0x20: {  	s18 =	sadd.s32 s16, s9  }
0x21: {  	[sflag:s11] =	ssyncadd.s32 $0xFFFFC000;
	s16 =	smov.u32 s17;
	s19 =	sadd.s32 $0x10, s17  }
0x22: {  	[tilespmem:s13], [sflag:$0x1] =	stream.linear.gather [hbm4b:s18+s4], $0x80, $0x38;
	[tilespmem:$0x17C80] =	vst v63  }
0x23: {  	p0 =	sne.s32 s17, $0x4E0;
	_ =	swait.ge [sflag:s11], $0x80  }
.Ltmp0:
0x24: {  	[sflag:s11] =	ssyncset.done $0x0;
	(pc) =	sbr.rel @p0 .LBB2_2-.Ltmp0, $4  }
0x25: {  	[sflag:s11] =	ssyncadd.s32 $0xFFFFFF80  }
0x26: {  	[spmem:s3] =	stream.indirect.scatter.add.f32 [tilespmem:s12], [sflag:$0x1], $0x80, s13, s14, $0xb8;
	[tilespmem:$0x17C80] =	vst v63  }
0x27: {  	_ =	swait.ge [sflag:s11], $0x4000  }
0x28: {  	s17 =	smov.u32 s19;
	[sflag:s11] =	ssyncset.done $0x0  }
0x29: {  	s16 =	sadd.s32 s16, s9;
	[sflag:s11] =	ssyncadd.s32 $0xFFFFC000  }
0x2a: {  	[tilespmem:s13], [sflag:$0x1] =	stream.linear.gather [hbm4b:s16+s4], $0x80, $0x38;
	[tilespmem:$0x17C80] =	vst v63  }
0x2b: {  	_ =	swait.ge [sflag:s11], $0x80  }
0x2c: {  	[sflag:s11] =	ssyncset.done $0x0  }
0x2d: {  	[sflag:s11] =	ssyncadd.s32 $0xFFFFFF80  }
0x2e: {  	[spmem:s3] =	stream.indirect.scatter.add.f32 [tilespmem:s12], [sflag:$0x1], $0x80, s13, s14, $0xb8;
	[tilespmem:$0x17C80] =	vst v63  }
0x2f: {  	_ =	swait.ge [sflag:s11], $0x4000  }
0x30: {  	s15 =	sadd.s32 $0x1, s15;
	[sflag:s11] =	ssyncset.done $0x0  }
0x31: {  	p0 =	sne.s32 s15, s8;
	[sflag:s11] =	ssyncadd.s32 $0xFFFFC000  }
.Ltmp1:
0x32: {  	[bflag:$0x0] =	sbarrier.arrive $0xFFFF;
	(pc) =	sbr.rel @p0 .LBB2_1-.Ltmp1, $4  }
0x33: {  	[hbm:s7], [sflag:s6] =	dma.local [spmem:s10], $0x2780  }
0x34: {  	_ =	swait.ge [sflag:s11], $0x2780  }
0x35: {  	[sflag:s11] =	ssyncset.done $0x0  }
0x36: {  	[sflag:s11] =	ssyncadd.s32 $0xFFFFD880  }
0x37: {  	_ =	sfence.sel $0x180000  }
0x38: {  	[bflag:$0x0] =	sbarrier.arrive $0xFFFF  }
0x39: {  	p0 =	sne.s32 s0, $0x0;
	_ =	strace $0x90000047  }
0x3a: {  	s0 =	sadd.s32 @!p0 $0x100000, s1;
	[bflag:$0x2] =	sbarrier.arrive $0xFFFF  }
0x3b: {  	[sflag:s0] =	ssyncadd.tile.s32 @!p0 $0x1;
	_ =	shalt  }
.Lfunc_end2:
_tile_overlayer_lowered:
.L_overlay_start_2:
0x3c: {  	(tag) =	ssettag $0x2  }
0x3d: {  	s0 =	rddreg [dreg:$0x0];
	s2 =	stileid.u32  }
0x3e: {  	s1 =	rddreg [dreg:$0x1];
	p0 =	sne.s32 s2, $0x0  }
0x3f: {  	s3 =	rddreg [dreg:$0x2];
	[bflag:$0x3] =	sbarrier.arrive $0xFFFF;
	s2 =	simm.s32 @!p0 $0x1C01  }
0x40: {  	[timem:s3], [sflag:s2] =	dma.local @!p0 [hbm:s0], s1  }
0x41: {  	s0 =	simm.s32 @!p0 $0x1  }
0x42: {  	_ =	swait.ge @!p0 [sflag:s0], s1  }
0x43: {  	s1 =	ssub.s32 @!p0 $0x0, s1;
	[sflag:s0] =	ssyncset.done @!p0 $0x0  }
0x44: {  	[sflag:s0] =	ssyncadd.s32 @!p0 s1  }
0x45: {  	[bflag:$0x3] =	sbarrier.arrive $0xFFFF  }
0x46: {  	_ =	shalt  }

// kernel: kernel.14.cloned.1.call-start
scs
__scs_entry_jumppad:
0x0: {  	(pc) =	sbr.rel $0x88, $3  }
0x1: {  	(tag) =	ssettag $0x0;
	lr =	simm.s32 $0x1  }
0x2: {  	[smem:$0x3F97] =	sst lr;
	_ =	strace $0xD0000000  }
0x3: {  	_ = 	snop  }
0x4: {  	_ = 	snop  }
0x5: {  	_ = 	snop  }
0x6: {  	_ = 	snop  }
0x7: {  	_ = 	snop  }
__scs_overlays_trampoline_lowered:
0x8: {  	[smem:$0x3FA6] =	sst s0  }
0x9: {  	[smem:$0x3FA7] =	sst s1  }
0xa: {  	[smem:$0x3FA8] =	sst s2  }
0xb: {  	[smem:$0x3FA9] =	sst s3  }
0xc: {  	[smem:$0x3FAA] =	sst s4  }
0xd: {  	[smem:$0x3FAB] =	sst s5  }
0xe: {  	[smem:$0x3FAC] =	sst s6  }
0xf: {  	[smem:$0x3FAD] =	sst s7  }
0x10: {  	[smem:$0x3FAE] =	sst s8  }
0x11: {  	[smem:$0x3FAF] =	sst s9;
	s0 =	simm.s32 @!p0 $0x0  }
0x12: {  	s1 =	sld [smem:$0x3F95];
	s0 =	simm.s32 @p0 $0x1  }
0x13: {  	[smem:$0x3FB0] =	sst s0;
	s0 =	simm.s32 @!p1 $0x0  }
0x14: {  	s2 =	sld [smem:$0x3F94];
	s0 =	simm.s32 @p1 $0x1  }
0x15: {  	[smem:$0x3FB1] =	sst s0;
	s0 =	simm.s32 @!p2 $0x0  }
0x16: {  	s3 =	sld [smem:$0x3FDB];
	s0 =	simm.s32 @p2 $0x1  }
0x17: {  	s4 =	simm.s32 $0x1BF5;
	[smem:$0x3FB3] =	sst s0  }
0x18: {  	s0 =	sld [smem:$0x3F96];
	_ =	swait.ge [sflag:s4], $0x0  }
0x19: {  	s7 =	sld [smem:$0x3F97]  }
0x1a: {  	s8 =	sadd.s32 $0xFFFFE003, lr  }
0x1b: {  	s9 =	sadd.s32 $0xFFFFFEF7, lr;
	s5 =	simm.s32 $0xFFFFFFFF;
	p2 =	slt.u32 s8, $0xFFFFF086  }
0x1c: {  	p1 =	slt.u32 s9, $0xF7A;
	s5 =	simm.s32 @!p2 $0x0  }
0x1d: {  	s5 =	simm.s32 @p1 $0x1;
	p0 =	seq.s32 s7, s2  }
0x1e: {  	s7 =	smul.u32 @!p0 $0xF7A, s2;
	p2 =	seq.s32 @!p0 s5, $0x0  }
0x1f: {  	s9 =	smul.u32 $0xF7A, s1;
	s8 =	simm.s32 @!p0 $0x1BF5;
	p2 =	por !p2, p0  }
0x20: {  	[sflag:s8] =	ssyncset.s32 @!p0 $0xFFFFF086;
	s6 =	sadd.s32 @!p0 s3, s7;
	s7 =	simm.s32 @!p0 $0x108  }
0x21: {  	s3 =	sadd.s32 s3, s9;
	s6 =	sadd.s32 @!p0 $0x88, s6;
	s7 =	simm.s32 @p2 $0x1082  }
0x22: {  	[simem:s7], [sflag:s8] =	dma.local @!p0 [hbm:s6], $0xF7A  }
0x23: {  	s9 =	sor.u32 $0xD0000000, s2;
	s6 =	simm.s32 $0x108;
	_ =	swait.ge @!p0 [sflag:s8], $0x0  }
0x24: {  	s3 =	sadd.s32 $0x88, s3;
	s6 =	simm.s32 @!p1 $0x1082;
	[sflag:s4] =	ssyncset.s32 $0xFFFFF086  }
0x25: {  	[simem:s6], [sflag:s4] =	dma.local [hbm:s3], $0xF7A  }
0x26: {  	[smem:$0x3F97] =	sst s1;
	(tag) =	ssettag s2;
	_ =	strace s9  }
0x27: {  	s1 =	sld [smem:$0x3FA7]  }
0x28: {  	s2 =	sld [smem:$0x3FA8]  }
0x29: {  	s4 =	sld [smem:$0x3FAA]  }
0x2a: {  	p0 =	seq.s32 s5, $0x0;
	s5 =	sld [smem:$0x3FAB]  }
0x2b: {  	s6 =	sld [smem:$0x3FAC]  }
0x2c: {  	s7 =	sld [smem:$0x3FAD]  }
0x2d: {  	s3 =	simm.s32 $0x108;
	s8 =	sld [smem:$0x3FAE]  }
0x2e: {  	s3 =	simm.s32 @!p0 $0x1082;
	s9 =	sld [smem:$0x3FAF]  }
0x2f: {  	lr =	sadd.s32 s0, s3;
	s0 =	sld [smem:$0x3FA6]  }
0x30: {  	s3 =	sld [smem:$0x3FA9]  }
0x31: {  	[smem:$0x3FB2] =	sst s10  }
0x32: {  	s10 =	sld [smem:$0x3FB0];
	_ =	sdelay $0x3  }
0x33: {  	p0 =	seq.s32 s10, $0x1;
	s10 =	sld [smem:$0x3FB2];
	_ =	sdelay $0x3  }
0x34: {  	[smem:$0x3FB2] =	sst s10  }
0x35: {  	s10 =	sld [smem:$0x3FB1];
	_ =	sdelay $0x3  }
0x36: {  	p1 =	seq.s32 s10, $0x1;
	s10 =	sld [smem:$0x3FB2];
	_ =	sdelay $0x3  }
0x37: {  	[smem:$0x3FB2] =	sst s10  }
0x38: {  	s10 =	sld [smem:$0x3FB3]  }
0x39: {  	_ = 	snop;
	(pc) =	sbr.ind lr, $3  }
0x3a: {  	_ = 	snop  }
0x3b: {  	_ = 	snop  }
0x3c: {  	p2 =	seq.s32 s10, $0x1;
	s10 =	sld [smem:$0x3FB2]  }
0x3d: {  	_ =	shalt  }
0x3e: {  	_ =	shalt  }
0x3f: {  	_ =	shalt  }
0x40: {  	_ =	shalt  }
0x41: {  	_ =	shalt  }
0x42: {  	_ =	shalt  }
0x43: {  	_ =	shalt  }
0x44: {  	_ =	shalt  }
0x45: {  	_ =	shalt  }
0x46: {  	_ =	shalt  }
0x47: {  	_ =	shalt  }
0x48: {  	_ =	shalt  }
0x49: {  	_ =	shalt  }
0x4a: {  	_ =	shalt  }
0x4b: {  	_ =	shalt  }
0x4c: {  	_ =	shalt  }
0x4d: {  	_ =	shalt  }
0x4e: {  	_ =	shalt  }
0x4f: {  	_ =	shalt  }
0x50: {  	_ =	shalt  }
0x51: {  	_ =	shalt  }
0x52: {  	_ =	shalt  }
0x53: {  	_ =	shalt  }
0x54: {  	_ =	shalt  }
0x55: {  	_ =	shalt  }
0x56: {  	_ =	shalt  }
0x57: {  	_ =	shalt  }
0x58: {  	_ =	shalt  }
0x59: {  	_ =	shalt  }
0x5a: {  	_ =	shalt  }
0x5b: {  	_ =	shalt  }
0x5c: {  	_ =	shalt  }
0x5d: {  	_ =	shalt  }
0x5e: {  	_ =	shalt  }
0x5f: {  	_ =	shalt  }
0x60: {  	_ =	shalt  }
0x61: {  	_ =	shalt  }
0x62: {  	_ =	shalt  }
0x63: {  	_ =	shalt  }
0x64: {  	_ =	shalt  }
0x65: {  	_ =	shalt  }
0x66: {  	_ =	shalt  }
0x67: {  	_ =	shalt  }
0x68: {  	_ =	shalt  }
0x69: {  	_ =	shalt  }
0x6a: {  	_ =	shalt  }
0x6b: {  	_ =	shalt  }
0x6c: {  	_ =	shalt  }
0x6d: {  	_ =	shalt  }
0x6e: {  	_ =	shalt  }
0x6f: {  	_ =	shalt  }
0x70: {  	_ =	shalt  }
0x71: {  	_ =	shalt  }
0x72: {  	_ =	shalt  }
0x73: {  	_ =	shalt  }
0x74: {  	_ =	shalt  }
0x75: {  	_ =	shalt  }
0x76: {  	_ =	shalt  }
0x77: {  	_ =	shalt  }
0x78: {  	_ =	shalt  }
0x79: {  	_ =	shalt  }
0x7a: {  	_ =	shalt  }
0x7b: {  	_ =	shalt  }
0x7c: {  	_ =	shalt  }
0x7d: {  	_ =	shalt  }
0x7e: {  	_ =	shalt  }
0x7f: {  	_ =	shalt  }
0x80: {  	_ =	shalt  }
0x81: {  	_ =	shalt  }
0x82: {  	_ =	shalt  }
0x83: {  	_ =	shalt  }
0x84: {  	_ =	shalt  }
0x85: {  	_ =	shalt  }
0x86: {  	_ =	shalt  }
0x87: {  	_ =	shalt  }
.Lfunc_end0:
.L_simem_size_0:
called_computation.1_lowered:
.L_overlay_start_0:
0x88: {  	s2 =	sld [smem:$0x3FD9]  }
0x89: {  	s3 =	sld [smem:$0x3FFE];
	_ =	sdelay $0x1  }
0x8a: {  	s1 =	srdreg.scid  }
0x8b: {  	s0 =	sand.u32 $0x1, s1  }
0x8c: {  	s17 =	sshll.u32 s0, $0xA;
	s2 =	sadd.s32 s3, s2  }
0x8d: {  	s2 =	sadd.s32 s2, s17  }
0x8e: {  	[smem:$0x3FBE] =	sst s2  }
0x8f: {  	_ = 	snop  }
0x90: {  	s2 =	sld [smem:$0x3FD0];
	(tm) =	ssettm $0x1  }
0x91: {  	s18 =	sld [smem:$0x3FFB];
	_ =	sdelay $0x3  }
0x92: {  	_ =	strace s18  }
0x93: {  	s3 =	sld [smem:$0x3FFC];
	_ =	sdelay $0x3  }
0x94: {  	_ =	strace s3  }
0x95: {  	s3 =	sld [smem:$0x3FFD];
	_ =	sdelay $0x3  }
0x96: {  	_ =	strace s3  }
0x97: {  	_ =	strace $0x8FFFFFFF  }
0x98: {  	s19 =	sld [smem:$0x3FDB];
	_ =	sdelay $0x1  }
0x99: {  	s4 =	simm.s32 $_scs_section_size  }
0x9a: {  	s5 =	simm.s32 $_size__tile_overlayer_lowered;
	s6 =	simm.s32 $_tile_overlayer_lowered  }
0x9b: {  	s22 =	simm.s32 $0x1BFF;
	s21 =	sshll.u32 s6, $0x1;
	s3 =	sadd.s32 s4, s19  }
0x9c: {  	s7 =	simm.s32 $0x0;
	s20 =	sshll.u32 s5, $0x1;
	s5 =	sadd.s32 s21, s3  }
0x9d: {  	[timem:s7], [sflag:s22] =	dma.local [hbm:s5], s20  }
0x9e: {  	_ =	swait.ge [sflag:s22], s20  }
0x9f: {  	s4 =	ssub.s32 $0x0, s20;
	[sflag:s22] =	ssyncset.done $0x0  }
0xa0: {  	[sflag:s22] =	ssyncadd.s32 s4;
	_ =	sdelay $0x1  }
0xa1: {  	s23 =	simm.s32 $0x1B8B  }
0xa2: {  	_ =	swait.ge [sflag:s23], $0x1  }
0xa3: {  	[sflag:s23] =	ssyncset.done $0x0  }
0xa4: {  	s25 =	simm.s32 $0x1B8E;
	s24 =	sld [smem:$0x3FFE];
	[sflag:s23] =	ssyncadd.s32 $0xFFFFFFFF  }
0xa5: {  	s26 =	simm.s32 $execute0_lowered;
	[smem:$0x3FD2] =	sst s25  }
0xa6: {  	s5 =	sshll.u32 s26, $0x1;
	_ =	strace $0x80000049;
	[dreg:$0x1] =	wrdreg $0xFFFFFFFF  }
0xa7: {  	s28 =	simm.s32 $_size_execute0_lowered;
	s3 =	sadd.s32 s3, s5;
	[dreg:$0x0] =	wrdreg $0x0  }
0xa8: {  	s5 =	sshll.u32 s28, $0x1;
	[dreg:$0x2] =	wrdreg s3  }
0xa9: {  	[dreg:$0x3] =	wrdreg s5  }
0xaa: {  	[dreg:$0x4] =	wrdreg $0xC0  }
0xab: {  	_ =	task [dreg:s7], $0x5FFFF  }
0xac: {  	[dreg:$0x1] =	wrdreg $0xFFFFFFFF  }
0xad: {  	[dreg:$0x0] =	wrdreg $0x60  }
0xae: {  	[dreg:$0x2] =	wrdreg s24  }
0xaf: {  	[dreg:$0x3] =	wrdreg s2  }
0xb0: {  	[dreg:$0x4] =	wrdreg $0x0  }
0xb1: {  	[dreg:$0x5] =	wrdreg $0x9  }
0xb2: {  	_ =	task.clear_ibuf [dreg:s7], $0x6FFFF;
	_ =	strace $0x90000049  }
0xb3: {  	s29 =	simm.s32 $0x9;
	_ =	strace $0x8000004B  }
0xb4: {  	_ =	swait.ge [sflag:s29], $0x1  }
0xb5: {  	[sflag:s29] =	ssyncadd.s32 $0xFFFFFFFF  }
0xb6: {  	_ =	strace $0x9000004B  }
0xb7: {  	_ =	sfence  }
0xb8: {  	s30 =	sld [smem:$0x0];
	_ =	sdelay $0x2  }
0xb9: {  	s31 =	sshll.u32 s1, $0xD;
	s1 =	sshrl.u32 s1, $0x2  }
0xba: {  	s3 =	sand.u32 $0x4000, s31;
	s1 =	sadd.s32 s1, s30  }
0xbb: {  	s0 =	sor.u32 s3, s0;
	s1 =	sshll.u32 s1, $0x11  }
0xbc: {  	s0 =	sor.u32 s1, s0  }
0xbd: {  	s0 =	sadd.s32 $0x8F2B, s0  }
0xbe: {  	[sflag:s0] =	ssyncadd.remote.s32 $0x1  }
0xbf: {  	_ =	sfence.sel $0xFFFF  }
0xc0: {  	[dreg:$0x0] =	wrdreg $0xFFFFFFFF;
	(pc) =	sbr.abs _section_cstart, $3  }
0xc1: {  	[dreg:$0x1] =	wrdreg $0xFFFFFFFF  }
0xc2: {  	_ =	task.clear_ibuf [dreg:s7], $0x2FFFF;
	_ =	strace $0x9FFFFFFF  }
0xc3: {  	(tm) =	ssettm $0x7FFFFFFF  }
tec
execute0_lowered:
.L_overlay_start_1:
0x0: {  	(tag) =	ssettag $0x1  }
0x1: {  	s5 =	rddreg [dreg:$0x0]  }
0x2: {  	s2 =	rddreg [dreg:$0x1]  }
0x3: {  	s0 =	srdreg.scid;
	s3 =	rddreg [dreg:$0x2]  }
0x4: {  	s1 =	rddreg [dreg:$0x3];
	s4 =	simm.s32 $0x0;
	s6 =	sand.u32 $0x1, s0  }
0x5: {  	s13 =	simm.s32 $0x13C00;
	s0 =	stileid.u32;
	s7 =	smul.u32 $0x27800, s6  }
0x6: {  	s14 =	simm.s32 $0x13C80;
	s15 =	simm.s32 $0x80;
	s8 =	smul.u32 $0x2780, s0  }
0x7: {  	s16 =	simm.s32 $0x13D00;
	s17 =	simm.s32 $0x1;
	s9 =	smul.u32 $0x13C00, s0  }
0x8: {  	s18 =	simm.s32 $0x0;
	[smem:$0x7FF] =	sst s4;
	s25 =	smul.u32 $0x13C000, s6  }
0x9: {  	_ =	strace $0x8000004A;
	s6 =	ssub.s32 $0x2, s6;
	s28 =	smul.u32 $0x4F000, s0  }
0xa: {  	s31 =	sshll.u32 s0, $0x6;
	s29 =	sshrl.u32 s6, $0x1;
	s7 =	sadd.s32 s8, s7  }
0xb: {  	s26 =	sshrl.u32 s9, $0x3;
	s8 =	sadd.s32 s9, s25;
	s11 =	ssub.s32 s6, s29  }
0xc: {  	s30 =	sshrl.u32 s28, $0x2;
	s6 =	sor.u32 $0x1C02, s31;
	s7 =	sshrl.u32 s7, $0x3  }
0xd: {  	s8 =	sshrl.u32 s8, $0x3;
	s10 =	sadd.s32 s7, s5;
	s7 =	sadd.s32 s26, s5  }
0xe: {  	s12 =	sadd.s32 s30, s3;
	s8 =	sadd.s32 s8, s5;
	s5 =	sadd.s32 $0xE200, s7  }
0xf: {  	s7 =	sadd.s32 $0x8E800, s8;
	s8 =	smax.u32 s11, $0x1;
	s9 =	sadd.s32 $0x4400, s10  }
0x10: {  	s10 =	sadd.s32 $0x84A00, s10;
	s11 =	sshrl.u32 s12, $0x3;
	s12 =	simm.s32 $0x2  }
.LBB2_1:
0x11: {  	[spmem:s11], [sflag:s6] =	dma.local [hbm:s5], $0x2780  }
0x12: {  	_ =	swait.ge [sflag:s12], $0x2780  }
0x13: {  	[sflag:s12] =	ssyncset.done $0x0  }
0x14: {  	[sflag:s12] =	ssyncadd.s32 $0xFFFFD880  }
0x15: {  	s19 =	sadd.s32 $0x0, s10;
	[bflag:$0x0] =	sbarrier.arrive $0xFFFF  }
0x16: {  	[tilespmem:s13], [sflag:$0x2] =	stream.linear.gather [hbm4b:s19+s4], $0x80, $0x38;
	[tilespmem:$0x17D00] =	vst v63  }
0x17: {  	_ =	swait.ge [sflag:s12], $0x80  }
0x18: {  	[sflag:s12] =	ssyncset.done $0x0  }
0x19: {  	s31 =	sadd.s32 $0x0, s9;
	[sflag:s12] =	ssyncadd.s32 $0xFFFFFF80  }
0x1a: {  	[tilespmem:s14], [sflag:$0x2] =	stream.linear.gather [hbm4b:s31+s4], $0x80, $0x38;
	[tilespmem:$0x17D00] =	vst v63  }
0x1b: {  	_ =	swait.ge [sflag:s12], $0x80  }
0x1c: {  	[sflag:s12] =	ssyncset.done $0x0  }
0x1d: {  	[sflag:s12] =	ssyncadd.s32 $0xFFFFFF80  }
0x1e: {  	[tilespmem:s16], [sflag:$0x1] =	stream.indirect.gather [hbm4b:s2+s15], $0x80, s13, s15, $0xb8;
	[tilespmem:$0x17D00] =	vst v63  }
0x1f: {  	_ =	swait.ge [sflag:s17], $0x4000  }
0x20: {  	[sflag:s17] =	ssyncset.done $0x0  }
0x21: {  	[sflag:s17] =	ssyncadd.s32 $0xFFFFC000  }
0x22: {  	[spmem:s3] =	stream.indirect.scatter.add.f32 [tilespmem:s16], [sflag:$0x2], $0x80, s14, s15, $0xb8;
	[tilespmem:$0x17D00] =	vst v63  }
0x23: {  	_ =	swait.ge [sflag:s12], $0x4000  }
0x24: {  	s20 =	simm.s32 $0x20;
	s19 =	simm.s32 $0x10;
	[sflag:s12] =	ssyncset.done $0x0  }
.LBB2_2:
0x25: {  	s21 =	sadd.s32 s19, s10  }
0x26: {  	[sflag:s12] =	ssyncadd.s32 $0xFFFFC000;
	s22 =	smov.u32 s20;
	s23 =	sadd.s32 $0x10, s20  }
0x27: {  	[tilespmem:s13], [sflag:$0x2] =	stream.linear.gather [hbm4b:s21+s4], $0x80, $0x38;
	[tilespmem:$0x17D00] =	vst v63  }
0x28: {  	p0 =	sne.s32 s20, $0x4E0;
	_ =	swait.ge [sflag:s12], $0x80  }
0x29: {  	[sflag:s12] =	ssyncset.done $0x0  }
0x2a: {  	s20 =	sadd.s32 s19, s9;
	s19 =	smov.u32 s22;
	[sflag:s12] =	ssyncadd.s32 $0xFFFFFF80  }
0x2b: {  	[tilespmem:s14], [sflag:$0x2] =	stream.linear.gather [hbm4b:s20+s4], $0x80, $0x38;
	[tilespmem:$0x17D00] =	vst v63  }
0x2c: {  	_ =	swait.ge [sflag:s12], $0x80  }
0x2d: {  	[sflag:s12] =	ssyncset.done $0x0  }
0x2e: {  	[sflag:s12] =	ssyncadd.s32 $0xFFFFFF80  }
0x2f: {  	[tilespmem:s16], [sflag:$0x1] =	stream.indirect.gather [hbm4b:s2+s15], $0x80, s13, s15, $0xb8;
	[tilespmem:$0x17D00] =	vst v63  }
0x30: {  	_ =	swait.ge [sflag:s17], $0x4000  }
.Ltmp0:
0x31: {  	[sflag:s17] =	ssyncset.done $0x0;
	(pc) =	sbr.rel @p0 .LBB2_2-.Ltmp0, $4  }
0x32: {  	[sflag:s17] =	ssyncadd.s32 $0xFFFFC000  }
0x33: {  	[spmem:s3] =	stream.indirect.scatter.add.f32 [tilespmem:s16], [sflag:$0x2], $0x80, s14, s15, $0xb8;
	[tilespmem:$0x17D00] =	vst v63  }
0x34: {  	_ =	swait.ge [sflag:s12], $0x4000  }
0x35: {  	s20 =	smov.u32 s23;
	[sflag:s12] =	ssyncset.done $0x0  }
0x36: {  	s20 =	sadd.s32 s19, s10;
	[sflag:s12] =	ssyncadd.s32 $0xFFFFC000  }
0x37: {  	[tilespmem:s13], [sflag:$0x2] =	stream.linear.gather [hbm4b:s20+s4], $0x80, $0x38;
	[tilespmem:$0x17D00] =	vst v63  }
0x38: {  	_ =	swait.ge [sflag:s12], $0x80  }
0x39: {  	[sflag:s12] =	ssyncset.done $0x0  }
0x3a: {  	s31 =	sadd.s32 s19, s9;
	[sflag:s12] =	ssyncadd.s32 $0xFFFFFF80  }
0x3b: {  	[tilespmem:s14], [sflag:$0x2] =	stream.linear.gather [hbm4b:s31+s4], $0x80, $0x38;
	[tilespmem:$0x17D00] =	vst v63  }
0x3c: {  	_ =	swait.ge [sflag:s12], $0x80  }
0x3d: {  	[sflag:s12] =	ssyncset.done $0x0  }
0x3e: {  	[sflag:s12] =	ssyncadd.s32 $0xFFFFFF80  }
0x3f: {  	[tilespmem:s16], [sflag:$0x1] =	stream.indirect.gather [hbm4b:s2+s15], $0x80, s13, s15, $0xb8;
	[tilespmem:$0x17D00] =	vst v63  }
0x40: {  	_ =	swait.ge [sflag:s17], $0x4000  }
0x41: {  	[sflag:s17] =	ssyncset.done $0x0  }
0x42: {  	[sflag:s17] =	ssyncadd.s32 $0xFFFFC000  }
0x43: {  	[spmem:s3] =	stream.indirect.scatter.add.f32 [tilespmem:s16], [sflag:$0x2], $0x80, s14, s15, $0xb8;
	[tilespmem:$0x17D00] =	vst v63  }
0x44: {  	_ =	swait.ge [sflag:s12], $0x4000  }
0x45: {  	s18 =	sadd.s32 $0x1, s18;
	[sflag:s12] =	ssyncset.done $0x0  }
0x46: {  	p0 =	sne.s32 s18, s8;
	[sflag:s12] =	ssyncadd.s32 $0xFFFFC000  }
.Ltmp1:
0x47: {  	[bflag:$0x0] =	sbarrier.arrive $0xFFFF;
	(pc) =	sbr.rel @p0 .LBB2_1-.Ltmp1, $4  }
0x48: {  	[hbm:s7], [sflag:s6] =	dma.local [spmem:s11], $0x2780  }
0x49: {  	_ =	swait.ge [sflag:s12], $0x2780  }
0x4a: {  	[sflag:s12] =	ssyncset.done $0x0  }
0x4b: {  	[sflag:s12] =	ssyncadd.s32 $0xFFFFD880  }
0x4c: {  	_ =	sfence.sel $0x180000  }
0x4d: {  	[bflag:$0x0] =	sbarrier.arrive $0xFFFF  }
0x4e: {  	p0 =	sne.s32 s0, $0x0;
	_ =	strace $0x9000004A  }
0x4f: {  	s0 =	sadd.s32 @!p0 $0x100000, s1;
	[bflag:$0x2] =	sbarrier.arrive $0xFFFF  }
0x50: {  	[sflag:s0] =	ssyncadd.tile.s32 @!p0 $0x1;
	_ =	shalt  }
.Lfunc_end2:
_tile_overlayer_lowered:
.L_overlay_start_2:
0x51: {  	(tag) =	ssettag $0x2  }
0x52: {  	s0 =	rddreg [dreg:$0x0];
	s2 =	stileid.u32  }
0x53: {  	s1 =	rddreg [dreg:$0x1];
	p0 =	sne.s32 s2, $0x0  }
0x54: {  	s3 =	rddreg [dreg:$0x2];
	[bflag:$0x3] =	sbarrier.arrive $0xFFFF;
	s2 =	simm.s32 @!p0 $0x1C02  }
0x55: {  	[timem:s3], [sflag:s2] =	dma.local @!p0 [hbm:s0], s1  }
0x56: {  	s0 =	simm.s32 @!p0 $0x2  }
0x57: {  	_ =	swait.ge @!p0 [sflag:s0], s1  }
0x58: {  	s1 =	ssub.s32 @!p0 $0x0, s1;
	[sflag:s0] =	ssyncset.done @!p0 $0x0  }
0x59: {  	[sflag:s0] =	ssyncadd.s32 @!p0 s1  }
0x5a: {  	[bflag:$0x3] =	sbarrier.arrive $0xFFFF  }
0x5b: {  	_ =	shalt  }

// kernel: kernel.17.cloned.1.call-start
scs
__scs_entry_jumppad:
0x0: {  	(pc) =	sbr.rel $0x88, $3  }
0x1: {  	(tag) =	ssettag $0x0;
	lr =	simm.s32 $0x1  }
0x2: {  	[smem:$0x3F97] =	sst lr;
	_ =	strace $0xD0000000  }
0x3: {  	_ = 	snop  }
0x4: {  	_ = 	snop  }
0x5: {  	_ = 	snop  }
0x6: {  	_ = 	snop  }
0x7: {  	_ = 	snop  }
__scs_overlays_trampoline_lowered:
0x8: {  	[smem:$0x3FA6] =	sst s0  }
0x9: {  	[smem:$0x3FA7] =	sst s1  }
0xa: {  	[smem:$0x3FA8] =	sst s2  }
0xb: {  	[smem:$0x3FA9] =	sst s3  }
0xc: {  	[smem:$0x3FAA] =	sst s4  }
0xd: {  	[smem:$0x3FAB] =	sst s5  }
0xe: {  	[smem:$0x3FAC] =	sst s6  }
0xf: {  	[smem:$0x3FAD] =	sst s7  }
0x10: {  	[smem:$0x3FAE] =	sst s8  }
0x11: {  	[smem:$0x3FAF] =	sst s9;
	s0 =	simm.s32 @!p0 $0x0  }
0x12: {  	s1 =	sld [smem:$0x3F95];
	s0 =	simm.s32 @p0 $0x1  }
0x13: {  	[smem:$0x3FB0] =	sst s0;
	s0 =	simm.s32 @!p1 $0x0  }
0x14: {  	s2 =	sld [smem:$0x3F94];
	s0 =	simm.s32 @p1 $0x1  }
0x15: {  	[smem:$0x3FB1] =	sst s0;
	s0 =	simm.s32 @!p2 $0x0  }
0x16: {  	s3 =	sld [smem:$0x3FDB];
	s0 =	simm.s32 @p2 $0x1  }
0x17: {  	s4 =	simm.s32 $0x1BF5;
	[smem:$0x3FB3] =	sst s0  }
0x18: {  	s0 =	sld [smem:$0x3F96];
	_ =	swait.ge [sflag:s4], $0x0  }
0x19: {  	s7 =	sld [smem:$0x3F97]  }
0x1a: {  	s8 =	sadd.s32 $0xFFFFE003, lr  }
0x1b: {  	s9 =	sadd.s32 $0xFFFFFEF7, lr;
	s5 =	simm.s32 $0xFFFFFFFF;
	p2 =	slt.u32 s8, $0xFFFFF086  }
0x1c: {  	p1 =	slt.u32 s9, $0xF7A;
	s5 =	simm.s32 @!p2 $0x0  }
0x1d: {  	s5 =	simm.s32 @p1 $0x1;
	p0 =	seq.s32 s7, s2  }
0x1e: {  	s7 =	smul.u32 @!p0 $0xF7A, s2;
	p2 =	seq.s32 @!p0 s5, $0x0  }
0x1f: {  	s9 =	smul.u32 $0xF7A, s1;
	s8 =	simm.s32 @!p0 $0x1BF5;
	p2 =	por !p2, p0  }
0x20: {  	[sflag:s8] =	ssyncset.s32 @!p0 $0xFFFFF086;
	s6 =	sadd.s32 @!p0 s3, s7;
	s7 =	simm.s32 @!p0 $0x108  }
0x21: {  	s3 =	sadd.s32 s3, s9;
	s6 =	sadd.s32 @!p0 $0x88, s6;
	s7 =	simm.s32 @p2 $0x1082  }
0x22: {  	[simem:s7], [sflag:s8] =	dma.local @!p0 [hbm:s6], $0xF7A  }
0x23: {  	s9 =	sor.u32 $0xD0000000, s2;
	s6 =	simm.s32 $0x108;
	_ =	swait.ge @!p0 [sflag:s8], $0x0  }
0x24: {  	s3 =	sadd.s32 $0x88, s3;
	s6 =	simm.s32 @!p1 $0x1082;
	[sflag:s4] =	ssyncset.s32 $0xFFFFF086  }
0x25: {  	[simem:s6], [sflag:s4] =	dma.local [hbm:s3], $0xF7A  }
0x26: {  	[smem:$0x3F97] =	sst s1;
	(tag) =	ssettag s2;
	_ =	strace s9  }
0x27: {  	s1 =	sld [smem:$0x3FA7]  }
0x28: {  	s2 =	sld [smem:$0x3FA8]  }
0x29: {  	s4 =	sld [smem:$0x3FAA]  }
0x2a: {  	p0 =	seq.s32 s5, $0x0;
	s5 =	sld [smem:$0x3FAB]  }
0x2b: {  	s6 =	sld [smem:$0x3FAC]  }
0x2c: {  	s7 =	sld [smem:$0x3FAD]  }
0x2d: {  	s3 =	simm.s32 $0x108;
	s8 =	sld [smem:$0x3FAE]  }
0x2e: {  	s3 =	simm.s32 @!p0 $0x1082;
	s9 =	sld [smem:$0x3FAF]  }
0x2f: {  	lr =	sadd.s32 s0, s3;
	s0 =	sld [smem:$0x3FA6]  }
0x30: {  	s3 =	sld [smem:$0x3FA9]  }
0x31: {  	[smem:$0x3FB2] =	sst s10  }
0x32: {  	s10 =	sld [smem:$0x3FB0];
	_ =	sdelay $0x3  }
0x33: {  	p0 =	seq.s32 s10, $0x1;
	s10 =	sld [smem:$0x3FB2];
	_ =	sdelay $0x3  }
0x34: {  	[smem:$0x3FB2] =	sst s10  }
0x35: {  	s10 =	sld [smem:$0x3FB1];
	_ =	sdelay $0x3  }
0x36: {  	p1 =	seq.s32 s10, $0x1;
	s10 =	sld [smem:$0x3FB2];
	_ =	sdelay $0x3  }
0x37: {  	[smem:$0x3FB2] =	sst s10  }
0x38: {  	s10 =	sld [smem:$0x3FB3]  }
0x39: {  	_ = 	snop;
	(pc) =	sbr.ind lr, $3  }
0x3a: {  	_ = 	snop  }
0x3b: {  	_ = 	snop  }
0x3c: {  	p2 =	seq.s32 s10, $0x1;
	s10 =	sld [smem:$0x3FB2]  }
0x3d: {  	_ =	shalt  }
0x3e: {  	_ =	shalt  }
0x3f: {  	_ =	shalt  }
0x40: {  	_ =	shalt  }
0x41: {  	_ =	shalt  }
0x42: {  	_ =	shalt  }
0x43: {  	_ =	shalt  }
0x44: {  	_ =	shalt  }
0x45: {  	_ =	shalt  }
0x46: {  	_ =	shalt  }
0x47: {  	_ =	shalt  }
0x48: {  	_ =	shalt  }
0x49: {  	_ =	shalt  }
0x4a: {  	_ =	shalt  }
0x4b: {  	_ =	shalt  }
0x4c: {  	_ =	shalt  }
0x4d: {  	_ =	shalt  }
0x4e: {  	_ =	shalt  }
0x4f: {  	_ =	shalt  }
0x50: {  	_ =	shalt  }
0x51: {  	_ =	shalt  }
0x52: {  	_ =	shalt  }
0x53: {  	_ =	shalt  }
0x54: {  	_ =	shalt  }
0x55: {  	_ =	shalt  }
0x56: {  	_ =	shalt  }
0x57: {  	_ =	shalt  }
0x58: {  	_ =	shalt  }
0x59: {  	_ =	shalt  }
0x5a: {  	_ =	shalt  }
0x5b: {  	_ =	shalt  }
0x5c: {  	_ =	shalt  }
0x5d: {  	_ =	shalt  }
0x5e: {  	_ =	shalt  }
0x5f: {  	_ =	shalt  }
0x60: {  	_ =	shalt  }
0x61: {  	_ =	shalt  }
0x62: {  	_ =	shalt  }
0x63: {  	_ =	shalt  }
0x64: {  	_ =	shalt  }
0x65: {  	_ =	shalt  }
0x66: {  	_ =	shalt  }
0x67: {  	_ =	shalt  }
0x68: {  	_ =	shalt  }
0x69: {  	_ =	shalt  }
0x6a: {  	_ =	shalt  }
0x6b: {  	_ =	shalt  }
0x6c: {  	_ =	shalt  }
0x6d: {  	_ =	shalt  }
0x6e: {  	_ =	shalt  }
0x6f: {  	_ =	shalt  }
0x70: {  	_ =	shalt  }
0x71: {  	_ =	shalt  }
0x72: {  	_ =	shalt  }
0x73: {  	_ =	shalt  }
0x74: {  	_ =	shalt  }
0x75: {  	_ =	shalt  }
0x76: {  	_ =	shalt  }
0x77: {  	_ =	shalt  }
0x78: {  	_ =	shalt  }
0x79: {  	_ =	shalt  }
0x7a: {  	_ =	shalt  }
0x7b: {  	_ =	shalt  }
0x7c: {  	_ =	shalt  }
0x7d: {  	_ =	shalt  }
0x7e: {  	_ =	shalt  }
0x7f: {  	_ =	shalt  }
0x80: {  	_ =	shalt  }
0x81: {  	_ =	shalt  }
0x82: {  	_ =	shalt  }
0x83: {  	_ =	shalt  }
0x84: {  	_ =	shalt  }
0x85: {  	_ =	shalt  }
0x86: {  	_ =	shalt  }
0x87: {  	_ =	shalt  }
.Lfunc_end0:
.L_simem_size_0:
called_computation.2_lowered:
.L_overlay_start_0:
0x88: {  	s2 =	sld [smem:$0x3FD9]  }
0x89: {  	s3 =	sld [smem:$0x3FFE];
	_ =	sdelay $0x1  }
0x8a: {  	s1 =	srdreg.scid  }
0x8b: {  	s0 =	sand.u32 $0x1, s1  }
0x8c: {  	s17 =	sshll.u32 s0, $0xA;
	s2 =	sadd.s32 s3, s2  }
0x8d: {  	s2 =	sadd.s32 s2, s17  }
0x8e: {  	[smem:$0x3FBE] =	sst s2  }
0x8f: {  	_ = 	snop  }
0x90: {  	s2 =	sld [smem:$0x3FD0];
	(tm) =	ssettm $0x1  }
0x91: {  	s18 =	sld [smem:$0x3FFB];
	_ =	sdelay $0x3  }
0x92: {  	_ =	strace s18  }
0x93: {  	s3 =	sld [smem:$0x3FFC];
	_ =	sdelay $0x3  }
0x94: {  	_ =	strace s3  }
0x95: {  	s3 =	sld [smem:$0x3FFD];
	_ =	sdelay $0x3  }
0x96: {  	_ =	strace s3  }
0x97: {  	_ =	strace $0x8FFFFFFF  }
0x98: {  	s19 =	sld [smem:$0x3FDB];
	_ =	sdelay $0x1  }
0x99: {  	s4 =	simm.s32 $_scs_section_size  }
0x9a: {  	s5 =	simm.s32 $_size__tile_overlayer_lowered;
	s6 =	simm.s32 $_tile_overlayer_lowered  }
0x9b: {  	s22 =	simm.s32 $0x1BFF;
	s21 =	sshll.u32 s6, $0x1;
	s3 =	sadd.s32 s4, s19  }
0x9c: {  	s7 =	simm.s32 $0x0;
	s20 =	sshll.u32 s5, $0x1;
	s5 =	sadd.s32 s21, s3  }
0x9d: {  	[timem:s7], [sflag:s22] =	dma.local [hbm:s5], s20  }
0x9e: {  	_ =	swait.ge [sflag:s22], s20  }
0x9f: {  	s4 =	ssub.s32 $0x0, s20;
	[sflag:s22] =	ssyncset.done $0x0  }
0xa0: {  	[sflag:s22] =	ssyncadd.s32 s4;
	_ =	sdelay $0x1  }
0xa1: {  	s23 =	simm.s32 $0x1B8B  }
0xa2: {  	_ =	swait.ge [sflag:s23], $0x1  }
0xa3: {  	[sflag:s23] =	ssyncset.done $0x0  }
0xa4: {  	s25 =	simm.s32 $0x1B8E;
	s24 =	sld [smem:$0x3FFE];
	[sflag:s23] =	ssyncadd.s32 $0xFFFFFFFF  }
0xa5: {  	s26 =	simm.s32 $execute0_lowered;
	[smem:$0x3FD2] =	sst s25  }
0xa6: {  	s5 =	sshll.u32 s26, $0x1;
	_ =	strace $0x8000004C;
	[dreg:$0x1] =	wrdreg $0xFFFFFFFF  }
0xa7: {  	s28 =	simm.s32 $_size_execute0_lowered;
	s3 =	sadd.s32 s3, s5;
	[dreg:$0x0] =	wrdreg $0x0  }
0xa8: {  	s5 =	sshll.u32 s28, $0x1;
	[dreg:$0x2] =	wrdreg s3  }
0xa9: {  	[dreg:$0x3] =	wrdreg s5  }
0xaa: {  	[dreg:$0x4] =	wrdreg $0xC0  }
0xab: {  	_ =	task [dreg:s7], $0x5FFFF  }
0xac: {  	[dreg:$0x1] =	wrdreg $0xFFFFFFFF  }
0xad: {  	[dreg:$0x0] =	wrdreg $0x60  }
0xae: {  	[dreg:$0x2] =	wrdreg s24  }
0xaf: {  	[dreg:$0x3] =	wrdreg s2  }
0xb0: {  	[dreg:$0x4] =	wrdreg $0x0  }
0xb1: {  	[dreg:$0x5] =	wrdreg $0x9  }
0xb2: {  	_ =	task.clear_ibuf [dreg:s7], $0x6FFFF;
	_ =	strace $0x9000004C  }
0xb3: {  	s29 =	simm.s32 $0x9;
	_ =	strace $0x8000004E  }
0xb4: {  	_ =	swait.ge [sflag:s29], $0x1  }
0xb5: {  	[sflag:s29] =	ssyncadd.s32 $0xFFFFFFFF  }
0xb6: {  	_ =	strace $0x9000004E  }
0xb7: {  	_ =	sfence  }
0xb8: {  	s30 =	sld [smem:$0x0];
	_ =	sdelay $0x2  }
0xb9: {  	s31 =	sshll.u32 s1, $0xD;
	s1 =	sshrl.u32 s1, $0x2  }
0xba: {  	s3 =	sand.u32 $0x4000, s31;
	s1 =	sadd.s32 s1, s30  }
0xbb: {  	s0 =	sor.u32 s3, s0;
	s1 =	sshll.u32 s1, $0x11  }
0xbc: {  	s0 =	sor.u32 s1, s0  }
0xbd: {  	s0 =	sadd.s32 $0x8F2B, s0  }
0xbe: {  	[sflag:s0] =	ssyncadd.remote.s32 $0x1  }
0xbf: {  	_ =	sfence.sel $0xFFFF  }
0xc0: {  	[dreg:$0x0] =	wrdreg $0xFFFFFFFF;
	(pc) =	sbr.abs _section_cstart, $3  }
0xc1: {  	[dreg:$0x1] =	wrdreg $0xFFFFFFFF  }
0xc2: {  	_ =	task.clear_ibuf [dreg:s7], $0x2FFFF;
	_ =	strace $0x9FFFFFFF  }
0xc3: {  	(tm) =	ssettm $0x7FFFFFFF  }
tec
execute0_lowered:
.L_overlay_start_1:
0x0: {  	(tag) =	ssettag $0x1  }
0x1: {  	s5 =	rddreg [dreg:$0x0]  }
0x2: {  	s2 =	rddreg [dreg:$0x1]  }
0x3: {  	s0 =	srdreg.scid;
	s3 =	rddreg [dreg:$0x2]  }
0x4: {  	s1 =	rddreg [dreg:$0x3];
	s4 =	simm.s32 $0x0;
	s6 =	sand.u32 $0x1, s0  }
0x5: {  	s13 =	simm.s32 $0x13C00;
	s0 =	stileid.u32;
	s7 =	smul.u32 $0x27800, s6  }
0x6: {  	s14 =	simm.s32 $0x13C80;
	s15 =	simm.s32 $0x80;
	s8 =	smul.u32 $0x2780, s0  }
0x7: {  	s16 =	simm.s32 $0x13D00;
	s17 =	simm.s32 $0x1;
	s9 =	smul.u32 $0x13C00, s0  }
0x8: {  	s18 =	simm.s32 $0x0;
	[smem:$0x7FF] =	sst s4;
	s25 =	smul.u32 $0x13C000, s6  }
0x9: {  	_ =	strace $0x8000004D;
	s6 =	ssub.s32 $0x2, s6;
	s28 =	smul.u32 $0x4F000, s0  }
0xa: {  	s31 =	sshll.u32 s0, $0x6;
	s29 =	sshrl.u32 s6, $0x1;
	s7 =	sadd.s32 s8, s7  }
0xb: {  	s26 =	sshrl.u32 s9, $0x3;
	s8 =	sadd.s32 s9, s25;
	s11 =	ssub.s32 s6, s29  }
0xc: {  	s30 =	sshrl.u32 s28, $0x2;
	s6 =	sor.u32 $0x1C02, s31;
	s7 =	sshrl.u32 s7, $0x3  }
0xd: {  	s8 =	sshrl.u32 s8, $0x3;
	s10 =	sadd.s32 s7, s5;
	s7 =	sadd.s32 s26, s5  }
0xe: {  	s12 =	sadd.s32 s30, s3;
	s8 =	sadd.s32 s8, s5;
	s5 =	sadd.s32 $0xE200, s7  }
0xf: {  	s7 =	sadd.s32 $0x8E800, s8;
	s8 =	smax.u32 s11, $0x1;
	s9 =	sadd.s32 $0x4400, s10  }
0x10: {  	s10 =	sadd.s32 $0x84A00, s10;
	s11 =	sshrl.u32 s12, $0x3;
	s12 =	simm.s32 $0x2  }
.LBB2_1:
0x11: {  	[spmem:s11], [sflag:s6] =	dma.local [hbm:s5], $0x2780  }
0x12: {  	_ =	swait.ge [sflag:s12], $0x2780  }
0x13: {  	[sflag:s12] =	ssyncset.done $0x0  }
0x14: {  	[sflag:s12] =	ssyncadd.s32 $0xFFFFD880  }
0x15: {  	s19 =	sadd.s32 $0x0, s10;
	[bflag:$0x0] =	sbarrier.arrive $0xFFFF  }
0x16: {  	[tilespmem:s13], [sflag:$0x2] =	stream.linear.gather [hbm4b:s19+s4], $0x80, $0x38;
	[tilespmem:$0x17D00] =	vst v63  }
0x17: {  	_ =	swait.ge [sflag:s12], $0x80  }
0x18: {  	[sflag:s12] =	ssyncset.done $0x0  }
0x19: {  	s31 =	sadd.s32 $0x0, s9;
	[sflag:s12] =	ssyncadd.s32 $0xFFFFFF80  }
0x1a: {  	[tilespmem:s14], [sflag:$0x2] =	stream.linear.gather [hbm4b:s31+s4], $0x80, $0x38;
	[tilespmem:$0x17D00] =	vst v63  }
0x1b: {  	_ =	swait.ge [sflag:s12], $0x80  }
0x1c: {  	[sflag:s12] =	ssyncset.done $0x0  }
0x1d: {  	[sflag:s12] =	ssyncadd.s32 $0xFFFFFF80  }
0x1e: {  	[tilespmem:s16], [sflag:$0x1] =	stream.indirect.gather [hbm4b:s2+s15], $0x80, s13, s15, $0xb8;
	[tilespmem:$0x17D00] =	vst v63  }
0x1f: {  	_ =	swait.ge [sflag:s17], $0x4000  }
0x20: {  	[sflag:s17] =	ssyncset.done $0x0  }
0x21: {  	[sflag:s17] =	ssyncadd.s32 $0xFFFFC000  }
0x22: {  	[spmem:s3] =	stream.indirect.scatter.add.f32 [tilespmem:s16], [sflag:$0x2], $0x80, s14, s15, $0xb8;
	[tilespmem:$0x17D00] =	vst v63  }
0x23: {  	_ =	swait.ge [sflag:s12], $0x4000  }
0x24: {  	s20 =	simm.s32 $0x20;
	s19 =	simm.s32 $0x10;
	[sflag:s12] =	ssyncset.done $0x0  }
.LBB2_2:
0x25: {  	s21 =	sadd.s32 s19, s10  }
0x26: {  	[sflag:s12] =	ssyncadd.s32 $0xFFFFC000;
	s22 =	smov.u32 s20;
	s23 =	sadd.s32 $0x10, s20  }
0x27: {  	[tilespmem:s13], [sflag:$0x2] =	stream.linear.gather [hbm4b:s21+s4], $0x80, $0x38;
	[tilespmem:$0x17D00] =	vst v63  }
0x28: {  	p0 =	sne.s32 s20, $0x4E0;
	_ =	swait.ge [sflag:s12], $0x80  }
0x29: {  	[sflag:s12] =	ssyncset.done $0x0  }
0x2a: {  	s20 =	sadd.s32 s19, s9;
	s19 =	smov.u32 s22;
	[sflag:s12] =	ssyncadd.s32 $0xFFFFFF80  }
0x2b: {  	[tilespmem:s14], [sflag:$0x2] =	stream.linear.gather [hbm4b:s20+s4], $0x80, $0x38;
	[tilespmem:$0x17D00] =	vst v63  }
0x2c: {  	_ =	swait.ge [sflag:s12], $0x80  }
0x2d: {  	[sflag:s12] =	ssyncset.done $0x0  }
0x2e: {  	[sflag:s12] =	ssyncadd.s32 $0xFFFFFF80  }
0x2f: {  	[tilespmem:s16], [sflag:$0x1] =	stream.indirect.gather [hbm4b:s2+s15], $0x80, s13, s15, $0xb8;
	[tilespmem:$0x17D00] =	vst v63  }
0x30: {  	_ =	swait.ge [sflag:s17], $0x4000  }
.Ltmp0:
0x31: {  	[sflag:s17] =	ssyncset.done $0x0;
	(pc) =	sbr.rel @p0 .LBB2_2-.Ltmp0, $4  }
0x32: {  	[sflag:s17] =	ssyncadd.s32 $0xFFFFC000  }
0x33: {  	[spmem:s3] =	stream.indirect.scatter.add.f32 [tilespmem:s16], [sflag:$0x2], $0x80, s14, s15, $0xb8;
	[tilespmem:$0x17D00] =	vst v63  }
0x34: {  	_ =	swait.ge [sflag:s12], $0x4000  }
0x35: {  	s20 =	smov.u32 s23;
	[sflag:s12] =	ssyncset.done $0x0  }
0x36: {  	s20 =	sadd.s32 s19, s10;
	[sflag:s12] =	ssyncadd.s32 $0xFFFFC000  }
0x37: {  	[tilespmem:s13], [sflag:$0x2] =	stream.linear.gather [hbm4b:s20+s4], $0x80, $0x38;
	[tilespmem:$0x17D00] =	vst v63  }
0x38: {  	_ =	swait.ge [sflag:s12], $0x80  }
0x39: {  	[sflag:s12] =	ssyncset.done $0x0  }
0x3a: {  	s31 =	sadd.s32 s19, s9;
	[sflag:s12] =	ssyncadd.s32 $0xFFFFFF80  }
0x3b: {  	[tilespmem:s14], [sflag:$0x2] =	stream.linear.gather [hbm4b:s31+s4], $0x80, $0x38;
	[tilespmem:$0x17D00] =	vst v63  }
0x3c: {  	_ =	swait.ge [sflag:s12], $0x80  }
0x3d: {  	[sflag:s12] =	ssyncset.done $0x0  }
0x3e: {  	[sflag:s12] =	ssyncadd.s32 $0xFFFFFF80  }
0x3f: {  	[tilespmem:s16], [sflag:$0x1] =	stream.indirect.gather [hbm4b:s2+s15], $0x80, s13, s15, $0xb8;
	[tilespmem:$0x17D00] =	vst v63  }
0x40: {  	_ =	swait.ge [sflag:s17], $0x4000  }
0x41: {  	[sflag:s17] =	ssyncset.done $0x0  }
0x42: {  	[sflag:s17] =	ssyncadd.s32 $0xFFFFC000  }
0x43: {  	[spmem:s3] =	stream.indirect.scatter.add.f32 [tilespmem:s16], [sflag:$0x2], $0x80, s14, s15, $0xb8;
	[tilespmem:$0x17D00] =	vst v63  }
0x44: {  	_ =	swait.ge [sflag:s12], $0x4000  }
0x45: {  	s18 =	sadd.s32 $0x1, s18;
	[sflag:s12] =	ssyncset.done $0x0  }
0x46: {  	p0 =	sne.s32 s18, s8;
	[sflag:s12] =	ssyncadd.s32 $0xFFFFC000  }
.Ltmp1:
0x47: {  	[bflag:$0x0] =	sbarrier.arrive $0xFFFF;
	(pc) =	sbr.rel @p0 .LBB2_1-.Ltmp1, $4  }
0x48: {  	[hbm:s7], [sflag:s6] =	dma.local [spmem:s11], $0x2780  }
0x49: {  	_ =	swait.ge [sflag:s12], $0x2780  }
0x4a: {  	[sflag:s12] =	ssyncset.done $0x0  }
0x4b: {  	[sflag:s12] =	ssyncadd.s32 $0xFFFFD880  }
0x4c: {  	_ =	sfence.sel $0x180000  }
0x4d: {  	[bflag:$0x0] =	sbarrier.arrive $0xFFFF  }
0x4e: {  	p0 =	sne.s32 s0, $0x0;
	_ =	strace $0x9000004D  }
0x4f: {  	s0 =	sadd.s32 @!p0 $0x100000, s1;
	[bflag:$0x2] =	sbarrier.arrive $0xFFFF  }
0x50: {  	[sflag:s0] =	ssyncadd.tile.s32 @!p0 $0x1;
	_ =	shalt  }
.Lfunc_end2:
_tile_overlayer_lowered:
.L_overlay_start_2:
0x51: {  	(tag) =	ssettag $0x2  }
0x52: {  	s0 =	rddreg [dreg:$0x0];
	s2 =	stileid.u32  }
0x53: {  	s1 =	rddreg [dreg:$0x1];
	p0 =	sne.s32 s2, $0x0  }
0x54: {  	s3 =	rddreg [dreg:$0x2];
	[bflag:$0x3] =	sbarrier.arrive $0xFFFF;
	s2 =	simm.s32 @!p0 $0x1C02  }
0x55: {  	[timem:s3], [sflag:s2] =	dma.local @!p0 [hbm:s0], s1  }
0x56: {  	s0 =	simm.s32 @!p0 $0x2  }
0x57: {  	_ =	swait.ge @!p0 [sflag:s0], s1  }
0x58: {  	s1 =	ssub.s32 @!p0 $0x0, s1;
	[sflag:s0] =	ssyncset.done @!p0 $0x0  }
0x59: {  	[sflag:s0] =	ssyncadd.s32 @!p0 s1  }
0x5a: {  	[bflag:$0x3] =	sbarrier.arrive $0xFFFF  }
0x5b: {  	_ =	shalt  }

// kernel: kernel.20.cloned.1.call-start
scs
__scs_entry_jumppad:
0x0: {  	(pc) =	sbr.rel $0x88, $3  }
0x1: {  	(tag) =	ssettag $0x0;
	lr =	simm.s32 $0x1  }
0x2: {  	[smem:$0x3F97] =	sst lr;
	_ =	strace $0xD0000000  }
0x3: {  	_ = 	snop  }
0x4: {  	_ = 	snop  }
0x5: {  	_ = 	snop  }
0x6: {  	_ = 	snop  }
0x7: {  	_ = 	snop  }
__scs_overlays_trampoline_lowered:
0x8: {  	[smem:$0x3FA6] =	sst s0  }
0x9: {  	[smem:$0x3FA7] =	sst s1  }
0xa: {  	[smem:$0x3FA8] =	sst s2  }
0xb: {  	[smem:$0x3FA9] =	sst s3  }
0xc: {  	[smem:$0x3FAA] =	sst s4  }
0xd: {  	[smem:$0x3FAB] =	sst s5  }
0xe: {  	[smem:$0x3FAC] =	sst s6  }
0xf: {  	[smem:$0x3FAD] =	sst s7  }
0x10: {  	[smem:$0x3FAE] =	sst s8  }
0x11: {  	[smem:$0x3FAF] =	sst s9;
	s0 =	simm.s32 @!p0 $0x0  }
0x12: {  	s1 =	sld [smem:$0x3F95];
	s0 =	simm.s32 @p0 $0x1  }
0x13: {  	[smem:$0x3FB0] =	sst s0;
	s0 =	simm.s32 @!p1 $0x0  }
0x14: {  	s2 =	sld [smem:$0x3F94];
	s0 =	simm.s32 @p1 $0x1  }
0x15: {  	[smem:$0x3FB1] =	sst s0;
	s0 =	simm.s32 @!p2 $0x0  }
0x16: {  	s3 =	sld [smem:$0x3FDB];
	s0 =	simm.s32 @p2 $0x1  }
0x17: {  	s4 =	simm.s32 $0x1BF5;
	[smem:$0x3FB3] =	sst s0  }
0x18: {  	s0 =	sld [smem:$0x3F96];
	_ =	swait.ge [sflag:s4], $0x0  }
0x19: {  	s7 =	sld [smem:$0x3F97]  }
0x1a: {  	s8 =	sadd.s32 $0xFFFFE003, lr  }
0x1b: {  	s9 =	sadd.s32 $0xFFFFFEF7, lr;
	s5 =	simm.s32 $0xFFFFFFFF;
	p2 =	slt.u32 s8, $0xFFFFF086  }
0x1c: {  	p1 =	slt.u32 s9, $0xF7A;
	s5 =	simm.s32 @!p2 $0x0  }
0x1d: {  	s5 =	simm.s32 @p1 $0x1;
	p0 =	seq.s32 s7, s2  }
0x1e: {  	s7 =	smul.u32 @!p0 $0xF7A, s2;
	p2 =	seq.s32 @!p0 s5, $0x0  }
0x1f: {  	s9 =	smul.u32 $0xF7A, s1;
	s8 =	simm.s32 @!p0 $0x1BF5;
	p2 =	por !p2, p0  }
0x20: {  	[sflag:s8] =	ssyncset.s32 @!p0 $0xFFFFF086;
	s6 =	sadd.s32 @!p0 s3, s7;
	s7 =	simm.s32 @!p0 $0x108  }
0x21: {  	s3 =	sadd.s32 s3, s9;
	s6 =	sadd.s32 @!p0 $0x88, s6;
	s7 =	simm.s32 @p2 $0x1082  }
0x22: {  	[simem:s7], [sflag:s8] =	dma.local @!p0 [hbm:s6], $0xF7A  }
0x23: {  	s9 =	sor.u32 $0xD0000000, s2;
	s6 =	simm.s32 $0x108;
	_ =	swait.ge @!p0 [sflag:s8], $0x0  }
0x24: {  	s3 =	sadd.s32 $0x88, s3;
	s6 =	simm.s32 @!p1 $0x1082;
	[sflag:s4] =	ssyncset.s32 $0xFFFFF086  }
0x25: {  	[simem:s6], [sflag:s4] =	dma.local [hbm:s3], $0xF7A  }
0x26: {  	[smem:$0x3F97] =	sst s1;
	(tag) =	ssettag s2;
	_ =	strace s9  }
0x27: {  	s1 =	sld [smem:$0x3FA7]  }
0x28: {  	s2 =	sld [smem:$0x3FA8]  }
0x29: {  	s4 =	sld [smem:$0x3FAA]  }
0x2a: {  	p0 =	seq.s32 s5, $0x0;
	s5 =	sld [smem:$0x3FAB]  }
0x2b: {  	s6 =	sld [smem:$0x3FAC]  }
0x2c: {  	s7 =	sld [smem:$0x3FAD]  }
0x2d: {  	s3 =	simm.s32 $0x108;
	s8 =	sld [smem:$0x3FAE]  }
0x2e: {  	s3 =	simm.s32 @!p0 $0x1082;
	s9 =	sld [smem:$0x3FAF]  }
0x2f: {  	lr =	sadd.s32 s0, s3;
	s0 =	sld [smem:$0x3FA6]  }
0x30: {  	s3 =	sld [smem:$0x3FA9]  }
0x31: {  	[smem:$0x3FB2] =	sst s10  }
0x32: {  	s10 =	sld [smem:$0x3FB0];
	_ =	sdelay $0x3  }
0x33: {  	p0 =	seq.s32 s10, $0x1;
	s10 =	sld [smem:$0x3FB2];
	_ =	sdelay $0x3  }
0x34: {  	[smem:$0x3FB2] =	sst s10  }
0x35: {  	s10 =	sld [smem:$0x3FB1];
	_ =	sdelay $0x3  }
0x36: {  	p1 =	seq.s32 s10, $0x1;
	s10 =	sld [smem:$0x3FB2];
	_ =	sdelay $0x3  }
0x37: {  	[smem:$0x3FB2] =	sst s10  }
0x38: {  	s10 =	sld [smem:$0x3FB3]  }
0x39: {  	_ = 	snop;
	(pc) =	sbr.ind lr, $3  }
0x3a: {  	_ = 	snop  }
0x3b: {  	_ = 	snop  }
0x3c: {  	p2 =	seq.s32 s10, $0x1;
	s10 =	sld [smem:$0x3FB2]  }
0x3d: {  	_ =	shalt  }
0x3e: {  	_ =	shalt  }
0x3f: {  	_ =	shalt  }
0x40: {  	_ =	shalt  }
0x41: {  	_ =	shalt  }
0x42: {  	_ =	shalt  }
0x43: {  	_ =	shalt  }
0x44: {  	_ =	shalt  }
0x45: {  	_ =	shalt  }
0x46: {  	_ =	shalt  }
0x47: {  	_ =	shalt  }
0x48: {  	_ =	shalt  }
0x49: {  	_ =	shalt  }
0x4a: {  	_ =	shalt  }
0x4b: {  	_ =	shalt  }
0x4c: {  	_ =	shalt  }
0x4d: {  	_ =	shalt  }
0x4e: {  	_ =	shalt  }
0x4f: {  	_ =	shalt  }
0x50: {  	_ =	shalt  }
0x51: {  	_ =	shalt  }
0x52: {  	_ =	shalt  }
0x53: {  	_ =	shalt  }
0x54: {  	_ =	shalt  }
0x55: {  	_ =	shalt  }
0x56: {  	_ =	shalt  }
0x57: {  	_ =	shalt  }
0x58: {  	_ =	shalt  }
0x59: {  	_ =	shalt  }
0x5a: {  	_ =	shalt  }
0x5b: {  	_ =	shalt  }
0x5c: {  	_ =	shalt  }
0x5d: {  	_ =	shalt  }
0x5e: {  	_ =	shalt  }
0x5f: {  	_ =	shalt  }
0x60: {  	_ =	shalt  }
0x61: {  	_ =	shalt  }
0x62: {  	_ =	shalt  }
0x63: {  	_ =	shalt  }
0x64: {  	_ =	shalt  }
0x65: {  	_ =	shalt  }
0x66: {  	_ =	shalt  }
0x67: {  	_ =	shalt  }
0x68: {  	_ =	shalt  }
0x69: {  	_ =	shalt  }
0x6a: {  	_ =	shalt  }
0x6b: {  	_ =	shalt  }
0x6c: {  	_ =	shalt  }
0x6d: {  	_ =	shalt  }
0x6e: {  	_ =	shalt  }
0x6f: {  	_ =	shalt  }
0x70: {  	_ =	shalt  }
0x71: {  	_ =	shalt  }
0x72: {  	_ =	shalt  }
0x73: {  	_ =	shalt  }
0x74: {  	_ =	shalt  }
0x75: {  	_ =	shalt  }
0x76: {  	_ =	shalt  }
0x77: {  	_ =	shalt  }
0x78: {  	_ =	shalt  }
0x79: {  	_ =	shalt  }
0x7a: {  	_ =	shalt  }
0x7b: {  	_ =	shalt  }
0x7c: {  	_ =	shalt  }
0x7d: {  	_ =	shalt  }
0x7e: {  	_ =	shalt  }
0x7f: {  	_ =	shalt  }
0x80: {  	_ =	shalt  }
0x81: {  	_ =	shalt  }
0x82: {  	_ =	shalt  }
0x83: {  	_ =	shalt  }
0x84: {  	_ =	shalt  }
0x85: {  	_ =	shalt  }
0x86: {  	_ =	shalt  }
0x87: {  	_ =	shalt  }
.Lfunc_end0:
.L_simem_size_0:
called_computation.3_lowered:
.L_overlay_start_0:
0x88: {  	s2 =	sld [smem:$0x3FD9]  }
0x89: {  	s3 =	sld [smem:$0x3FFE];
	_ =	sdelay $0x1  }
0x8a: {  	s1 =	srdreg.scid  }
0x8b: {  	s0 =	sand.u32 $0x1, s1  }
0x8c: {  	s17 =	sshll.u32 s0, $0xA;
	s2 =	sadd.s32 s3, s2  }
0x8d: {  	s2 =	sadd.s32 s2, s17  }
0x8e: {  	[smem:$0x3FBE] =	sst s2  }
0x8f: {  	_ = 	snop  }
0x90: {  	s2 =	sld [smem:$0x3FD0];
	(tm) =	ssettm $0x1  }
0x91: {  	s18 =	sld [smem:$0x3FFB];
	_ =	sdelay $0x3  }
0x92: {  	_ =	strace s18  }
0x93: {  	s3 =	sld [smem:$0x3FFC];
	_ =	sdelay $0x3  }
0x94: {  	_ =	strace s3  }
0x95: {  	s3 =	sld [smem:$0x3FFD];
	_ =	sdelay $0x3  }
0x96: {  	_ =	strace s3  }
0x97: {  	_ =	strace $0x8FFFFFFF  }
0x98: {  	s19 =	sld [smem:$0x3FDB];
	_ =	sdelay $0x1  }
0x99: {  	s4 =	simm.s32 $_scs_section_size  }
0x9a: {  	s5 =	simm.s32 $_size__tile_overlayer_lowered;
	s6 =	simm.s32 $_tile_overlayer_lowered  }
0x9b: {  	s22 =	simm.s32 $0x1BFF;
	s21 =	sshll.u32 s6, $0x1;
	s3 =	sadd.s32 s4, s19  }
0x9c: {  	s7 =	simm.s32 $0x0;
	s20 =	sshll.u32 s5, $0x1;
	s5 =	sadd.s32 s21, s3  }
0x9d: {  	[timem:s7], [sflag:s22] =	dma.local [hbm:s5], s20  }
0x9e: {  	_ =	swait.ge [sflag:s22], s20  }
0x9f: {  	s4 =	ssub.s32 $0x0, s20;
	[sflag:s22] =	ssyncset.done $0x0  }
0xa0: {  	[sflag:s22] =	ssyncadd.s32 s4;
	_ =	sdelay $0x1  }
0xa1: {  	s23 =	simm.s32 $0x1B8B  }
0xa2: {  	_ =	swait.ge [sflag:s23], $0x1  }
0xa3: {  	[sflag:s23] =	ssyncset.done $0x0  }
0xa4: {  	s25 =	simm.s32 $0x1B8E;
	s24 =	sld [smem:$0x3FFE];
	[sflag:s23] =	ssyncadd.s32 $0xFFFFFFFF  }
0xa5: {  	s26 =	simm.s32 $execute0_lowered;
	[smem:$0x3FD2] =	sst s25  }
0xa6: {  	s5 =	sshll.u32 s26, $0x1;
	_ =	strace $0x8000004F;
	[dreg:$0x1] =	wrdreg $0xFFFFFFFF  }
0xa7: {  	s28 =	simm.s32 $_size_execute0_lowered;
	s3 =	sadd.s32 s3, s5;
	[dreg:$0x0] =	wrdreg $0x0  }
0xa8: {  	s5 =	sshll.u32 s28, $0x1;
	[dreg:$0x2] =	wrdreg s3  }
0xa9: {  	[dreg:$0x3] =	wrdreg s5  }
0xaa: {  	[dreg:$0x4] =	wrdreg $0xC0  }
0xab: {  	_ =	task [dreg:s7], $0x5FFFF  }
0xac: {  	[dreg:$0x1] =	wrdreg $0xFFFFFFFF  }
0xad: {  	[dreg:$0x0] =	wrdreg $0x60  }
0xae: {  	[dreg:$0x2] =	wrdreg s24  }
0xaf: {  	[dreg:$0x3] =	wrdreg s2  }
0xb0: {  	[dreg:$0x4] =	wrdreg $0x0  }
0xb1: {  	[dreg:$0x5] =	wrdreg $0x9  }
0xb2: {  	_ =	task.clear_ibuf [dreg:s7], $0x6FFFF;
	_ =	strace $0x9000004F  }
0xb3: {  	s29 =	simm.s32 $0x9;
	_ =	strace $0x80000051  }
0xb4: {  	_ =	swait.ge [sflag:s29], $0x1  }
0xb5: {  	[sflag:s29] =	ssyncadd.s32 $0xFFFFFFFF  }
0xb6: {  	_ =	strace $0x90000051  }
0xb7: {  	_ =	sfence  }
0xb8: {  	s30 =	sld [smem:$0x0];
	_ =	sdelay $0x2  }
0xb9: {  	s31 =	sshll.u32 s1, $0xD;
	s1 =	sshrl.u32 s1, $0x2  }
0xba: {  	s3 =	sand.u32 $0x4000, s31;
	s1 =	sadd.s32 s1, s30  }
0xbb: {  	s0 =	sor.u32 s3, s0;
	s1 =	sshll.u32 s1, $0x11  }
0xbc: {  	s0 =	sor.u32 s1, s0  }
0xbd: {  	s0 =	sadd.s32 $0x8F2B, s0  }
0xbe: {  	[sflag:s0] =	ssyncadd.remote.s32 $0x1  }
0xbf: {  	_ =	sfence.sel $0xFFFF  }
0xc0: {  	[dreg:$0x0] =	wrdreg $0xFFFFFFFF;
	(pc) =	sbr.abs _section_cstart, $3  }
0xc1: {  	[dreg:$0x1] =	wrdreg $0xFFFFFFFF  }
0xc2: {  	_ =	task.clear_ibuf [dreg:s7], $0x2FFFF;
	_ =	strace $0x9FFFFFFF  }
0xc3: {  	(tm) =	ssettm $0x7FFFFFFF  }
tec
execute0_lowered:
.L_overlay_start_1:
0x0: {  	(tag) =	ssettag $0x1  }
0x1: {  	s5 =	rddreg [dreg:$0x0]  }
0x2: {  	s2 =	rddreg [dreg:$0x1]  }
0x3: {  	s0 =	srdreg.scid;
	s3 =	rddreg [dreg:$0x2]  }
0x4: {  	s1 =	rddreg [dreg:$0x3];
	s4 =	simm.s32 $0x0;
	s6 =	sand.u32 $0x1, s0  }
0x5: {  	s13 =	simm.s32 $0x13C00;
	s0 =	stileid.u32;
	s7 =	smul.u32 $0x27800, s6  }
0x6: {  	s14 =	simm.s32 $0x13C80;
	s15 =	simm.s32 $0x80;
	s8 =	smul.u32 $0x2780, s0  }
0x7: {  	s16 =	simm.s32 $0x13D00;
	s17 =	simm.s32 $0x1;
	s9 =	smul.u32 $0x13C00, s0  }
0x8: {  	s18 =	simm.s32 $0x0;
	[smem:$0x7FF] =	sst s4;
	s25 =	smul.u32 $0x13C000, s6  }
0x9: {  	_ =	strace $0x80000050;
	s6 =	ssub.s32 $0x2, s6;
	s28 =	smul.u32 $0x4F000, s0  }
0xa: {  	s31 =	sshll.u32 s0, $0x6;
	s29 =	sshrl.u32 s6, $0x1;
	s7 =	sadd.s32 s8, s7  }
0xb: {  	s26 =	sshrl.u32 s9, $0x3;
	s8 =	sadd.s32 s9, s25;
	s11 =	ssub.s32 s6, s29  }
0xc: {  	s30 =	sshrl.u32 s28, $0x2;
	s6 =	sor.u32 $0x1C02, s31;
	s7 =	sshrl.u32 s7, $0x3  }
0xd: {  	s8 =	sshrl.u32 s8, $0x3;
	s10 =	sadd.s32 s7, s5;
	s7 =	sadd.s32 s26, s5  }
0xe: {  	s12 =	sadd.s32 s30, s3;
	s8 =	sadd.s32 s8, s5;
	s5 =	sadd.s32 $0xE200, s7  }
0xf: {  	s7 =	sadd.s32 $0x8E800, s8;
	s8 =	smax.u32 s11, $0x1;
	s9 =	sadd.s32 $0x4400, s10  }
0x10: {  	s10 =	sadd.s32 $0x84A00, s10;
	s11 =	sshrl.u32 s12, $0x3;
	s12 =	simm.s32 $0x2  }
.LBB2_1:
0x11: {  	[spmem:s11], [sflag:s6] =	dma.local [hbm:s5], $0x2780  }
0x12: {  	_ =	swait.ge [sflag:s12], $0x2780  }
0x13: {  	[sflag:s12] =	ssyncset.done $0x0  }
0x14: {  	[sflag:s12] =	ssyncadd.s32 $0xFFFFD880  }
0x15: {  	s19 =	sadd.s32 $0x0, s10;
	[bflag:$0x0] =	sbarrier.arrive $0xFFFF  }
0x16: {  	[tilespmem:s13], [sflag:$0x2] =	stream.linear.gather [hbm4b:s19+s4], $0x80, $0x38;
	[tilespmem:$0x17D00] =	vst v63  }
0x17: {  	_ =	swait.ge [sflag:s12], $0x80  }
0x18: {  	[sflag:s12] =	ssyncset.done $0x0  }
0x19: {  	s31 =	sadd.s32 $0x0, s9;
	[sflag:s12] =	ssyncadd.s32 $0xFFFFFF80  }
0x1a: {  	[tilespmem:s14], [sflag:$0x2] =	stream.linear.gather [hbm4b:s31+s4], $0x80, $0x38;
	[tilespmem:$0x17D00] =	vst v63  }
0x1b: {  	_ =	swait.ge [sflag:s12], $0x80  }
0x1c: {  	[sflag:s12] =	ssyncset.done $0x0  }
0x1d: {  	[sflag:s12] =	ssyncadd.s32 $0xFFFFFF80  }
0x1e: {  	[tilespmem:s16], [sflag:$0x1] =	stream.indirect.gather [hbm4b:s2+s15], $0x80, s13, s15, $0xb8;
	[tilespmem:$0x17D00] =	vst v63  }
0x1f: {  	_ =	swait.ge [sflag:s17], $0x4000  }
0x20: {  	[sflag:s17] =	ssyncset.done $0x0  }
0x21: {  	[sflag:s17] =	ssyncadd.s32 $0xFFFFC000  }
0x22: {  	[spmem:s3] =	stream.indirect.scatter.add.f32 [tilespmem:s16], [sflag:$0x2], $0x80, s14, s15, $0xb8;
	[tilespmem:$0x17D00] =	vst v63  }
0x23: {  	_ =	swait.ge [sflag:s12], $0x4000  }
0x24: {  	s20 =	simm.s32 $0x20;
	s19 =	simm.s32 $0x10;
	[sflag:s12] =	ssyncset.done $0x0  }
.LBB2_2:
0x25: {  	s21 =	sadd.s32 s19, s10  }
0x26: {  	[sflag:s12] =	ssyncadd.s32 $0xFFFFC000;
	s22 =	smov.u32 s20;
	s23 =	sadd.s32 $0x10, s20  }
0x27: {  	[tilespmem:s13], [sflag:$0x2] =	stream.linear.gather [hbm4b:s21+s4], $0x80, $0x38;
	[tilespmem:$0x17D00] =	vst v63  }
0x28: {  	p0 =	sne.s32 s20, $0x4E0;
	_ =	swait.ge [sflag:s12], $0x80  }
0x29: {  	[sflag:s12] =	ssyncset.done $0x0  }
0x2a: {  	s20 =	sadd.s32 s19, s9;
	s19 =	smov.u32 s22;
	[sflag:s12] =	ssyncadd.s32 $0xFFFFFF80  }
0x2b: {  	[tilespmem:s14], [sflag:$0x2] =	stream.linear.gather [hbm4b:s20+s4], $0x80, $0x38;
	[tilespmem:$0x17D00] =	vst v63  }
0x2c: {  	_ =	swait.ge [sflag:s12], $0x80  }
0x2d: {  	[sflag:s12] =	ssyncset.done $0x0  }
0x2e: {  	[sflag:s12] =	ssyncadd.s32 $0xFFFFFF80  }
0x2f: {  	[tilespmem:s16], [sflag:$0x1] =	stream.indirect.gather [hbm4b:s2+s15], $0x80, s13, s15, $0xb8;
	[tilespmem:$0x17D00] =	vst v63  }
0x30: {  	_ =	swait.ge [sflag:s17], $0x4000  }
.Ltmp0:
0x31: {  	[sflag:s17] =	ssyncset.done $0x0;
	(pc) =	sbr.rel @p0 .LBB2_2-.Ltmp0, $4  }
0x32: {  	[sflag:s17] =	ssyncadd.s32 $0xFFFFC000  }
0x33: {  	[spmem:s3] =	stream.indirect.scatter.add.f32 [tilespmem:s16], [sflag:$0x2], $0x80, s14, s15, $0xb8;
	[tilespmem:$0x17D00] =	vst v63  }
0x34: {  	_ =	swait.ge [sflag:s12], $0x4000  }
0x35: {  	s20 =	smov.u32 s23;
	[sflag:s12] =	ssyncset.done $0x0  }
0x36: {  	s20 =	sadd.s32 s19, s10;
	[sflag:s12] =	ssyncadd.s32 $0xFFFFC000  }
0x37: {  	[tilespmem:s13], [sflag:$0x2] =	stream.linear.gather [hbm4b:s20+s4], $0x80, $0x38;
	[tilespmem:$0x17D00] =	vst v63  }
0x38: {  	_ =	swait.ge [sflag:s12], $0x80  }
0x39: {  	[sflag:s12] =	ssyncset.done $0x0  }
0x3a: {  	s31 =	sadd.s32 s19, s9;
	[sflag:s12] =	ssyncadd.s32 $0xFFFFFF80  }
0x3b: {  	[tilespmem:s14], [sflag:$0x2] =	stream.linear.gather [hbm4b:s31+s4], $0x80, $0x38;
	[tilespmem:$0x17D00] =	vst v63  }
0x3c: {  	_ =	swait.ge [sflag:s12], $0x80  }
0x3d: {  	[sflag:s12] =	ssyncset.done $0x0  }
0x3e: {  	[sflag:s12] =	ssyncadd.s32 $0xFFFFFF80  }
0x3f: {  	[tilespmem:s16], [sflag:$0x1] =	stream.indirect.gather [hbm4b:s2+s15], $0x80, s13, s15, $0xb8;
	[tilespmem:$0x17D00] =	vst v63  }
0x40: {  	_ =	swait.ge [sflag:s17], $0x4000  }
0x41: {  	[sflag:s17] =	ssyncset.done $0x0  }
0x42: {  	[sflag:s17] =	ssyncadd.s32 $0xFFFFC000  }
0x43: {  	[spmem:s3] =	stream.indirect.scatter.add.f32 [tilespmem:s16], [sflag:$0x2], $0x80, s14, s15, $0xb8;
	[tilespmem:$0x17D00] =	vst v63  }
0x44: {  	_ =	swait.ge [sflag:s12], $0x4000  }
0x45: {  	s18 =	sadd.s32 $0x1, s18;
	[sflag:s12] =	ssyncset.done $0x0  }
0x46: {  	p0 =	sne.s32 s18, s8;
	[sflag:s12] =	ssyncadd.s32 $0xFFFFC000  }
.Ltmp1:
0x47: {  	[bflag:$0x0] =	sbarrier.arrive $0xFFFF;
	(pc) =	sbr.rel @p0 .LBB2_1-.Ltmp1, $4  }
0x48: {  	[hbm:s7], [sflag:s6] =	dma.local [spmem:s11], $0x2780  }
0x49: {  	_ =	swait.ge [sflag:s12], $0x2780  }
0x4a: {  	[sflag:s12] =	ssyncset.done $0x0  }
0x4b: {  	[sflag:s12] =	ssyncadd.s32 $0xFFFFD880  }
0x4c: {  	_ =	sfence.sel $0x180000  }
0x4d: {  	[bflag:$0x0] =	sbarrier.arrive $0xFFFF  }
0x4e: {  	p0 =	sne.s32 s0, $0x0;
	_ =	strace $0x90000050  }
0x4f: {  	s0 =	sadd.s32 @!p0 $0x100000, s1;
	[bflag:$0x2] =	sbarrier.arrive $0xFFFF  }
0x50: {  	[sflag:s0] =	ssyncadd.tile.s32 @!p0 $0x1;
	_ =	shalt  }
.Lfunc_end2:
_tile_overlayer_lowered:
.L_overlay_start_2:
0x51: {  	(tag) =	ssettag $0x2  }
0x52: {  	s0 =	rddreg [dreg:$0x0];
	s2 =	stileid.u32  }
0x53: {  	s1 =	rddreg [dreg:$0x1];
	p0 =	sne.s32 s2, $0x0  }
0x54: {  	s3 =	rddreg [dreg:$0x2];
	[bflag:$0x3] =	sbarrier.arrive $0xFFFF;
	s2 =	simm.s32 @!p0 $0x1C02  }
0x55: {  	[timem:s3], [sflag:s2] =	dma.local @!p0 [hbm:s0], s1  }
0x56: {  	s0 =	simm.s32 @!p0 $0x2  }
0x57: {  	_ =	swait.ge @!p0 [sflag:s0], s1  }
0x58: {  	s1 =	ssub.s32 @!p0 $0x0, s1;
	[sflag:s0] =	ssyncset.done @!p0 $0x0  }
0x59: {  	[sflag:s0] =	ssyncadd.s32 @!p0 s1  }
0x5a: {  	[bflag:$0x3] =	sbarrier.arrive $0xFFFF  }
0x5b: {  	_ =	shalt  }

</sc_bundles>
